<compile_context>
chip_gen: v7x
topology: tpu7x:2x2x1
jax: 0.10.2.dev20260603
libtpu: 0.0.44.dev20260713+nightly
codegen_flags: <defaults>
</compile_context>

<pallas_src>
import functools

import jax
import jax.numpy as jnp
from jax import lax
from jax.experimental import pallas as pl
from jax.experimental.pallas import tpu as pltpu
from jax.experimental.pallas import tpu_sc as plsc

_N_NODES = 10000
_N_EDGES = 320000
_HID = 128
_N_GRAPHS = 64

_NC = 2
_NS = 16

_EDGES_PER_TILE = _N_EDGES // _NS
_CHUNK = 80
_N_CHUNKS = _EDGES_PER_TILE // _CHUNK
_HALF_N = _N_NODES // _NC
_AGG_ROWS = _HALF_N + 8
_ZROWS_A = 320
_ZROWS_B = _AGG_ROWS - 15 * _ZROWS_A
_WROWS_B = _HALF_N - 15 * _ZROWS_A


def _make_agg_sc():
    mesh = plsc.VectorSubcoreMesh(core_axis_name="c", subcore_axis_name="s")

    @functools.partial(
        pl.kernel,
        out_type=jax.ShapeDtypeStruct((_NC, _HALF_N, _HID), jnp.float32),
        mesh=mesh,
        scratch_types=[
            pltpu.VMEM((_CHUNK,), jnp.int32),
            pltpu.VMEM((1, _CHUNK), jnp.int32),
            pltpu.VMEM((_CHUNK, _HID), jnp.float32),
            pltpu.VMEM((_ZROWS_A, _HID), jnp.float32),
            pltpu.VMEM_SHARED((_AGG_ROWS, _HID), jnp.float32),
            pltpu.SemaphoreType.DMA,
        ],
    )
    def body(h_hbm, src_hbm, dst_hbm, out_hbm, sbuf, dbuf, rows, zbuf, agg_sh, sem):
        c = lax.axis_index("c")
        s = lax.axis_index("s")

        def zv(j, _):
            zbuf[j // 8, pl.ds((j % 8) * 16, 16)] = jnp.zeros((16,), jnp.float32)
            return 0
        lax.fori_loop(0, _ZROWS_A * 8, zv, 0, unroll=8)

        @pl.when(s < _NS - 1)
        def _():
            pltpu.sync_copy(zbuf, agg_sh.at[pl.ds(s * _ZROWS_A, _ZROWS_A)])

        @pl.when(s == _NS - 1)
        def _():
            pltpu.sync_copy(zbuf.at[pl.ds(0, _ZROWS_B)],
                            agg_sh.at[pl.ds(s * _ZROWS_A, _ZROWS_B)])
        plsc.subcore_barrier()

        base = s * _EDGES_PER_TILE
        lo = c * _HALF_N

        def eloop(i, _):
            off = base + i * _CHUNK
            pltpu.sync_copy(src_hbm.at[pl.ds(off, _CHUNK)], sbuf)
            pltpu.sync_copy(dst_hbm.at[pl.ds(off, _CHUNK)], dbuf.at[0])
            def adj(k, _):
                d = dbuf[0, pl.ds(k * 16, 16)] - lo
                inr = (d >= 0) & (d < _HALF_N)
                dbuf[0, pl.ds(k * 16, 16)] = jnp.where(
                    inr, d, jnp.full((16,), _HALF_N, jnp.int32))
                return 0
            lax.fori_loop(0, _CHUNK // 16, adj, 0, unroll=_CHUNK // 16)
            pltpu.async_copy(h_hbm.at[sbuf], rows, sem).wait()
            pltpu.sync_copy(rows, agg_sh.at[dbuf.at[0]], add=True)
            return 0
        lax.fori_loop(0, _N_CHUNKS, eloop, 0)
        plsc.subcore_barrier()

        @pl.when(s < _NS - 1)
        def _():
            pltpu.sync_copy(agg_sh.at[pl.ds(s * _ZROWS_A, _ZROWS_A)],
                            out_hbm.at[c, pl.ds(s * _ZROWS_A, _ZROWS_A)])

        @pl.when(s == _NS - 1)
        def _():
            pltpu.sync_copy(agg_sh.at[pl.ds(s * _ZROWS_A, _WROWS_B)],
                            out_hbm.at[c, pl.ds(s * _ZROWS_A, _WROWS_B)])

    return body


_agg_sc = _make_agg_sc()


def _layer_tc(h, agg2, W1, b1, g, be, W2, b2, relu_flag):
    def body(h_ref, a_ref, w1_ref, b1_ref, g_ref, be_ref, w2_ref, b2_ref,
             f_ref, o_ref):
        z = h_ref[...] + jnp.concatenate([a_ref[0], a_ref[1]], axis=0)
        u = jnp.dot(z, w1_ref[...], preferred_element_type=jnp.float32) + b1_ref[...]
        mean = jnp.mean(u, axis=0, keepdims=True)
        var = jnp.mean((u - mean) ** 2, axis=0, keepdims=True)
        u = (u - mean) * lax.rsqrt(var + 1e-5) * g_ref[...] + be_ref[...]
        u = jnp.maximum(u, 0.0)
        v = jnp.dot(u, w2_ref[...], preferred_element_type=jnp.float32) + b2_ref[...]
        f = f_ref[...]
        v = f * jnp.maximum(v, 0.0) + (1.0 - f) * v
        o_ref[...] = v

    return pl.pallas_call(
        body,
        out_shape=jax.ShapeDtypeStruct((_N_NODES, _HID), jnp.float32),
    )(h, agg2, W1, b1, g, be, W2, b2, relu_flag)


def _head_tc(h, batch, Wc, W_fc1, b_fc1, g_fc, be_fc, W_fc2, b_fc2):
    def body(h_ref, b_ref, wc_ref, w1_ref, bf1_ref, g_ref, be_ref, w2_ref,
             bf2_ref, o_ref):
        t = jnp.maximum(
            jnp.dot(h_ref[...], wc_ref[...], preferred_element_type=jnp.float32),
            0.0)
        gid = b_ref[...]
        oh = (gid[None, :] == lax.broadcasted_iota(
            jnp.int32, (_N_GRAPHS, _N_NODES), 0)).astype(jnp.float32)
        seg = jnp.dot(oh, t, preferred_element_type=jnp.float32)
        y = jnp.dot(seg, w1_ref[...], preferred_element_type=jnp.float32) + bf1_ref[...]
        mean = jnp.mean(y, axis=0, keepdims=True)
        var = jnp.mean((y - mean) ** 2, axis=0, keepdims=True)
        y = (y - mean) * lax.rsqrt(var + 1e-5) * g_ref[...] + be_ref[...]
        y = jnp.where(y > 0, y, 0.01 * y)
        out = jnp.dot(y, w2_ref[...], preferred_element_type=jnp.float32) + bf2_ref[...]
        m = jnp.max(out, axis=1, keepdims=True)
        e = out - m
        o_ref[...] = e - jnp.log(jnp.sum(jnp.exp(e), axis=1, keepdims=True))

    return pl.pallas_call(
        body,
        out_shape=jax.ShapeDtypeStruct((_N_GRAPHS, 2), jnp.float32),
    )(h, batch, Wc, W_fc1, b_fc1, g_fc, be_fc, W_fc2, b_fc2)


def kernel(x, edge_index, batch, W1_0, b1_0, g_0, be_0, W2_0, b2_0, W1_1, b1_1,
           g_1, be_1, W2_1, b2_1, W1_2, b1_2, g_2, be_2, W2_2, b2_2, Wc, W_fc1,
           b_fc1, g_fc, be_fc, W_fc2, b_fc2):
    src = edge_index[0]
    dst = edge_index[1]
    W1s = jnp.stack([W1_0, W1_1, W1_2])
    b1s = jnp.stack([b1_0, b1_1, b1_2])
    gs = jnp.stack([g_0, g_1, g_2])
    bes = jnp.stack([be_0, be_1, be_2])
    W2s = jnp.stack([W2_0, W2_1, W2_2])
    b2s = jnp.stack([b2_0, b2_1, b2_2])
    flags = jnp.array([1.0, 1.0, 0.0], jnp.float32).reshape(3, 1, 1)

    def step(h, xs):
        W1, b1, g, be, W2, b2, f = xs
        agg2 = _agg_sc(h, src, dst)
        return _layer_tc(h, agg2, W1, b1, g, be, W2, b2, f), None

    h, _ = lax.scan(step, x, (W1s, b1s, gs, bes, W2s, b2s, flags))
    return _head_tc(h, batch, Wc, W_fc1, b_fc1, g_fc, be_fc, W_fc2, b_fc2)

# --- scband reference (transcript-rebuilt; emitter-appended) ---
"""Pipeline reference for scband-gnndeep-set-classifier-gin-36309653520912 (READ-ONLY COPY).

The authoritative reference and input builder live on the scoring server;
editing this copy changes nothing except your own understanding.
"""

import jax, jax.numpy as jnp
import numpy as np

N_NODES = 10000
N_EDGES = 320000
IN_CH = 128
HID = 128
N_LAYERS = 3
N_HS = 16
N_CLASSES = 2
N_GRAPHS = 64


def _glorot(key, shape):
    fan_in = shape[0]
    return jax.random.normal(key, shape, jnp.float32) * (1.0 / np.sqrt(fan_in))


def setup_inputs(seed: int = 0):
    key = jax.random.key(seed)
    ks = iter(jax.random.split(key, 64))
    inp = {}
    inp["x"] = jax.random.normal(next(ks), (N_NODES, IN_CH), jnp.float32)
    inp["edge_index"] = jax.random.randint(next(ks), (2, N_EDGES), 0, N_NODES, jnp.int32)
    inp["batch"] = jnp.sort(jax.random.randint(next(ks), (N_NODES,), 0, N_GRAPHS, jnp.int32))
    dims = [IN_CH] + [HID] * N_LAYERS
    for l in range(N_LAYERS):
        d_in, d_out = dims[l], dims[l + 1]
        inp[f"W1_{l}"] = _glorot(next(ks), (d_in, d_out))
        inp[f"b1_{l}"] = jnp.zeros((d_out,), jnp.float32)
        inp[f"g_{l}"] = jnp.ones((d_out,), jnp.float32)
        inp[f"be_{l}"] = jnp.zeros((d_out,), jnp.float32)
        inp[f"W2_{l}"] = _glorot(next(ks), (d_out, d_out))
        inp[f"b2_{l}"] = jnp.zeros((d_out,), jnp.float32)
    inp["Wc"] = _glorot(next(ks), (HID, N_HS * N_CLASSES))
    inp["W_fc1"] = _glorot(next(ks), (N_HS * N_CLASSES, 32))
    inp["b_fc1"] = jnp.zeros((32,), jnp.float32)
    inp["g_fc"] = jnp.ones((32,), jnp.float32)
    inp["be_fc"] = jnp.zeros((32,), jnp.float32)
    inp["W_fc2"] = _glorot(next(ks), (32, N_CLASSES))
    inp["b_fc2"] = jnp.zeros((N_CLASSES,), jnp.float32)
    return inp


def _batch_norm(z, g, b):
    mean = jnp.mean(z, axis=0, keepdims=True)
    var = jnp.var(z, axis=0, keepdims=True)
    return (z - mean) / jnp.sqrt(var + 1e-5) * g + b


def _gin_layer(h, src, dst, W1, b1, g, be, W2, b2):
    # GINConv: MLP((1 + eps) * x_i + sum_{j->i} x_j), eps = 0 (PyG default)
    agg = jnp.zeros_like(h).at[dst].add(h[src])
    z = h + agg
    z = z @ W1 + b1
    z = _batch_norm(z, g, be)
    z = jax.nn.relu(z)
    z = z @ W2 + b2
    return z


def reference(x, edge_index, batch,
              W1_0, b1_0, g_0, be_0, W2_0, b2_0,
              W1_1, b1_1, g_1, be_1, W2_1, b2_1,
              W1_2, b1_2, g_2, be_2, W2_2, b2_2,
              Wc, W_fc1, b_fc1, g_fc, be_fc, W_fc2, b_fc2):
    p = {
        "W1_0": W1_0, "b1_0": b1_0, "g_0": g_0, "be_0": be_0, "W2_0": W2_0, "b2_0": b2_0,
        "W1_1": W1_1, "b1_1": b1_1, "g_1": g_1, "be_1": be_1, "W2_1": W2_1, "b2_1": b2_1,
        "W1_2": W1_2, "b1_2": b1_2, "g_2": g_2, "be_2": be_2, "W2_2": W2_2, "b2_2": b2_2,
        "Wc": Wc, "W_fc1": W_fc1, "b_fc1": b_fc1, "g_fc": g_fc, "be_fc": be_fc,
        "W_fc2": W_fc2, "b_fc2": b_fc2,
    }
    src, dst = edge_index[0], edge_index[1]
    h = x
    for l in range(N_LAYERS):
        h = _gin_layer(h, src, dst, p[f"W1_{l}"], p[f"b1_{l}"], p[f"g_{l}"], p[f"be_{l}"], p[f"W2_{l}"], p[f"b2_{l}"])
        if l < N_LAYERS - 1:
            h = jax.nn.relu(h)
    # DeepSet: phi = relu(X @ Wc), sum-pool over each graph's nodes.
    # Pad-to-dense + sum in the torch code is equivalent to segment_sum since relu(0 @ Wc) = 0.
    t = jax.nn.relu(h @ p["Wc"])
    t = jax.ops.segment_sum(t, batch, num_segments=N_GRAPHS)
    t = t @ p["W_fc1"] + p["b_fc1"]
    t = _batch_norm(t, p["g_fc"], p["be_fc"])
    t = jax.nn.leaky_relu(t, negative_slope=0.01)
    out = t @ p["W_fc2"] + p["b_fc2"]
    return jax.nn.log_softmax(out, axis=1)

if __name__ == "__main__":
    import jax
    _d = setup_inputs()
    print(jax.jit(kernel)(*tuple(_d.values())))

</pallas_src>

<mosaic_0001>
#map = affine_map<(d0, d1) -> (0, 0)>
#map1 = affine_map<(d0, d1) -> (0)>
#map2 = affine_map<(d0, d1) -> (0, 0, 0)>
module attributes {stable_mosaic.version = 14 : i64} {
  func.func @body(%arg0: i32, %arg1: i32, %arg2: memref<10000x128xf32, #tpu.memory_space<hbm>>, %arg3: memref<320000xi32, #tpu.memory_space<hbm>>, %arg4: memref<320000xi32, #tpu.memory_space<hbm>>, %arg5: memref<2x5000x128xf32, #tpu.memory_space<hbm>>, %arg6: memref<80xi32, #tpu.memory_space<vmem>>, %arg7: memref<1x80xi32, #tpu.memory_space<vmem>>, %arg8: memref<80x128xf32, #tpu.memory_space<vmem>>, %arg9: memref<320x128xf32, #tpu.memory_space<vmem>>, %arg10: memref<5008x128xf32, #tpu.memory_space<vmem_shared>>, %arg11: memref<!tpu.dma_semaphore, #tpu.memory_space<semaphore_mem>>) attributes {dimension_semantics = [#tpu.dimension_semantics<core_parallel>, #tpu.dimension_semantics<subcore_parallel>], iteration_bounds = array<i64: 2, 16>, scalar_prefetch = 0 : i64, scratch_operands = 6 : i64, tpu.core_type = #tpu.core_type<sc_vector_subcore>, window_params = [{transform_indices = #map}, {transform_indices = #map1}, {transform_indices = #map1}, {transform_indices = #map2}]} {
    %scan3A = arith.constant 0 : i32
    %scan3A_0 = arith.constant 0 : i32
    %scan3A_1 = arith.constant 2560 : i32
    %scan3A_2 = arith.addi %scan3A_0, %scan3A_1 : i32
    %scan3A_3 = arith.constant 8 : i32
    %scan3A_4 = scf.for %scan3A_33 = %scan3A_0 to %scan3A_2 step %scan3A_3 iter_args(%scan3A_34 = %scan3A) -> (i32)  : i32 {
      %broadcast_in_dim3A = arith.constant 0.000000e+00 : f32
      %broadcast_in_dim3A_35 = vector.broadcast %broadcast_in_dim3A : f32 to vector<16xf32>
      %jit3A = arith.constant 8 : i32
      %div3A = arith.divsi %scan3A_33, %jit3A : i32
      %sign3A = arith.constant 0 : i32
      %sign3A_36 = arith.cmpi sgt, %scan3A_33, %sign3A : i32
      %sign3A_37 = arith.extui %sign3A_36 : i1 to i32
      %sign3A_38 = arith.constant 0 : i32
      %sign3A_39 = arith.cmpi slt, %scan3A_33, %sign3A_38 : i32
      %sign3A_40 = arith.extui %sign3A_39 : i1 to i32
      %sign3A_41 = arith.subi %sign3A_37, %sign3A_40 : i32
      %sign3A_42 = arith.constant 0 : i32
      %sign3A_43 = arith.cmpi sgt, %jit3A, %sign3A_42 : i32
      %sign3A_44 = arith.extui %sign3A_43 : i1 to i32
      %sign3A_45 = arith.constant 0 : i32
      %sign3A_46 = arith.cmpi slt, %jit3A, %sign3A_45 : i32
      %sign3A_47 = arith.extui %sign3A_46 : i1 to i32
      %sign3A_48 = arith.subi %sign3A_44, %sign3A_47 : i32
      %ne3A = arith.cmpi ne, %sign3A_41, %sign3A_48 : i32
      %rem3A = arith.remsi %scan3A_33, %jit3A : i32
      %ne3A_49 = arith.constant 0 : i32
      %ne3A_50 = arith.cmpi ne, %rem3A, %ne3A_49 : i32
      %and3A = arith.andi %ne3A, %ne3A_50 : i1
      %sub3A = arith.constant 1 : i32
      %sub3A_51 = arith.subi %div3A, %sub3A : i32
      %select_n3A = arith.select %and3A, %sub3A_51, %div3A : i32
      %jit3A_52 = arith.constant 8 : i32
      %eq3A_53 = arith.constant 0 : i32
      %eq3A_54 = arith.cmpi eq, %jit3A_52, %eq3A_53 : i32
      %jit3A_55 = arith.constant 1 : i32
      %select_n3A_56 = arith.select %eq3A_54, %jit3A_55, %jit3A_52 : i32
      %rem3A_57 = arith.remsi %scan3A_33, %select_n3A_56 : i32
      %ne3A_58 = arith.constant 0 : i32
      %ne3A_59 = arith.cmpi ne, %rem3A_57, %ne3A_58 : i32
      %lt3A_60 = arith.constant 0 : i32
      %lt3A_61 = arith.cmpi slt, %rem3A_57, %lt3A_60 : i32
      %lt3A_62 = arith.constant 0 : i32
      %lt3A_63 = arith.cmpi slt, %select_n3A_56, %lt3A_62 : i32
      %ne3A_64 = arith.xori %lt3A_61, %lt3A_63 : i1
      %and3A_65 = arith.andi %ne3A_64, %ne3A_59 : i1
      %add3A = arith.addi %rem3A_57, %select_n3A_56 : i32
      %select_n3A_66 = arith.select %and3A_65, %add3A, %rem3A_57 : i32
      %mul3A_67 = arith.constant 16 : i32
      %mul3A_68 = arith.muli %select_n3A_66, %mul3A_67 : i32
      %swap3A = arith.index_cast %select_n3A : i32 to index
      %swap3A_69 = arith.index_cast %mul3A_68 : i32 to index
      %swap3A_70 = tpu.vector_load %arg9[%swap3A, %swap3A_69] {strides = array<i32>} : memref<320x128xf32, #tpu.memory_space<vmem>>, vector<1x16xf32>,
      %swap3A_71 = vector.shape_cast %swap3A_70 : vector<1x16xf32> to vector<16xf32>
      %swap3A_72 = vector.shape_cast %broadcast_in_dim3A_35 : vector<16xf32> to vector<1x16xf32>
      tpu.vector_store %arg9[%swap3A, %swap3A_69], %swap3A_72 {strides = array<i32>} : memref<320x128xf32, #tpu.memory_space<vmem>>, vector<1x16xf32>,
      %scan3A_73 = arith.constant 0 : i32
      %scan3A_74 = arith.constant 1 : i32
      %scan3A_75 = arith.addi %scan3A_33, %scan3A_74 : i32
      %broadcast_in_dim3A_76 = arith.constant 0.000000e+00 : f32
      %broadcast_in_dim3A_77 = vector.broadcast %broadcast_in_dim3A_76 : f32 to vector<16xf32>
      %jit3A_78 = arith.constant 8 : i32
      %div3A_79 = arith.divsi %scan3A_75, %jit3A_78 : i32
      %sign3A_80 = arith.constant 0 : i32
      %sign3A_81 = arith.cmpi sgt, %scan3A_75, %sign3A_80 : i32
      %sign3A_82 = arith.extui %sign3A_81 : i1 to i32
      %sign3A_83 = arith.constant 0 : i32
      %sign3A_84 = arith.cmpi slt, %scan3A_75, %sign3A_83 : i32
      %sign3A_85 = arith.extui %sign3A_84 : i1 to i32
      %sign3A_86 = arith.subi %sign3A_82, %sign3A_85 : i32
      %sign3A_87 = arith.constant 0 : i32
      %sign3A_88 = arith.cmpi sgt, %jit3A_78, %sign3A_87 : i32
      %sign3A_89 = arith.extui %sign3A_88 : i1 to i32
      %sign3A_90 = arith.constant 0 : i32
      %sign3A_91 = arith.cmpi slt, %jit3A_78, %sign3A_90 : i32
      %sign3A_92 = arith.extui %sign3A_91 : i1 to i32
      %sign3A_93 = arith.subi %sign3A_89, %sign3A_92 : i32
      %ne3A_94 = arith.cmpi ne, %sign3A_86, %sign3A_93 : i32
      %rem3A_95 = arith.remsi %scan3A_75, %jit3A_78 : i32
      %ne3A_96 = arith.constant 0 : i32
      %ne3A_97 = arith.cmpi ne, %rem3A_95, %ne3A_96 : i32
      %and3A_98 = arith.andi %ne3A_94, %ne3A_97 : i1
      %sub3A_99 = arith.constant 1 : i32
      %sub3A_100 = arith.subi %div3A_79, %sub3A_99 : i32
      %select_n3A_101 = arith.select %and3A_98, %sub3A_100, %div3A_79 : i32
      %jit3A_102 = arith.constant 8 : i32
      %eq3A_103 = arith.constant 0 : i32
      %eq3A_104 = arith.cmpi eq, %jit3A_102, %eq3A_103 : i32
      %jit3A_105 = arith.constant 1 : i32
      %select_n3A_106 = arith.select %eq3A_104, %jit3A_105, %jit3A_102 : i32
      %rem3A_107 = arith.remsi %scan3A_75, %select_n3A_106 : i32
      %ne3A_108 = arith.constant 0 : i32
      %ne3A_109 = arith.cmpi ne, %rem3A_107, %ne3A_108 : i32
      %lt3A_110 = arith.constant 0 : i32
      %lt3A_111 = arith.cmpi slt, %rem3A_107, %lt3A_110 : i32
      %lt3A_112 = arith.constant 0 : i32
      %lt3A_113 = arith.cmpi slt, %select_n3A_106, %lt3A_112 : i32
      %ne3A_114 = arith.xori %lt3A_111, %lt3A_113 : i1
      %and3A_115 = arith.andi %ne3A_114, %ne3A_109 : i1
      %add3A_116 = arith.addi %rem3A_107, %select_n3A_106 : i32
      %select_n3A_117 = arith.select %and3A_115, %add3A_116, %rem3A_107 : i32
      %mul3A_118 = arith.constant 16 : i32
      %mul3A_119 = arith.muli %select_n3A_117, %mul3A_118 : i32
      %swap3A_120 = arith.index_cast %select_n3A_101 : i32 to index
      %swap3A_121 = arith.index_cast %mul3A_119 : i32 to index
      %swap3A_122 = tpu.vector_load %arg9[%swap3A_120, %swap3A_121] {strides = array<i32>} : memref<320x128xf32, #tpu.memory_space<vmem>>, vector<1x16xf32>,
      %swap3A_123 = vector.shape_cast %swap3A_122 : vector<1x16xf32> to vector<16xf32>
      %swap3A_124 = vector.shape_cast %broadcast_in_dim3A_77 : vector<16xf32> to vector<1x16xf32>
      tpu.vector_store %arg9[%swap3A_120, %swap3A_121], %swap3A_124 {strides = array<i32>} : memref<320x128xf32, #tpu.memory_space<vmem>>, vector<1x16xf32>,
      %scan3A_125 = arith.constant 0 : i32
      %scan3A_126 = arith.constant 2 : i32
      %scan3A_127 = arith.addi %scan3A_33, %scan3A_126 : i32
      %broadcast_in_dim3A_128 = arith.constant 0.000000e+00 : f32
      %broadcast_in_dim3A_129 = vector.broadcast %broadcast_in_dim3A_128 : f32 to vector<16xf32>
      %jit3A_130 = arith.constant 8 : i32
      %div3A_131 = arith.divsi %scan3A_127, %jit3A_130 : i32
      %sign3A_132 = arith.constant 0 : i32
      %sign3A_133 = arith.cmpi sgt, %scan3A_127, %sign3A_132 : i32
      %sign3A_134 = arith.extui %sign3A_133 : i1 to i32
      %sign3A_135 = arith.constant 0 : i32
      %sign3A_136 = arith.cmpi slt, %scan3A_127, %sign3A_135 : i32
      %sign3A_137 = arith.extui %sign3A_136 : i1 to i32
      %sign3A_138 = arith.subi %sign3A_134, %sign3A_137 : i32
      %sign3A_139 = arith.constant 0 : i32
      %sign3A_140 = arith.cmpi sgt, %jit3A_130, %sign3A_139 : i32
      %sign3A_141 = arith.extui %sign3A_140 : i1 to i32
      %sign3A_142 = arith.constant 0 : i32
      %sign3A_143 = arith.cmpi slt, %jit3A_130, %sign3A_142 : i32
      %sign3A_144 = arith.extui %sign3A_143 : i1 to i32
      %sign3A_145 = arith.subi %sign3A_141, %sign3A_144 : i32
      %ne3A_146 = arith.cmpi ne, %sign3A_138, %sign3A_145 : i32
      %rem3A_147 = arith.remsi %scan3A_127, %jit3A_130 : i32
      %ne3A_148 = arith.constant 0 : i32
      %ne3A_149 = arith.cmpi ne, %rem3A_147, %ne3A_148 : i32
      %and3A_150 = arith.andi %ne3A_146, %ne3A_149 : i1
      %sub3A_151 = arith.constant 1 : i32
      %sub3A_152 = arith.subi %div3A_131, %sub3A_151 : i32
      %select_n3A_153 = arith.select %and3A_150, %sub3A_152, %div3A_131 : i32
      %jit3A_154 = arith.constant 8 : i32
      %eq3A_155 = arith.constant 0 : i32
      %eq3A_156 = arith.cmpi eq, %jit3A_154, %eq3A_155 : i32
      %jit3A_157 = arith.constant 1 : i32
      %select_n3A_158 = arith.select %eq3A_156, %jit3A_157, %jit3A_154 : i32
      %rem3A_159 = arith.remsi %scan3A_127, %select_n3A_158 : i32
      %ne3A_160 = arith.constant 0 : i32
      %ne3A_161 = arith.cmpi ne, %rem3A_159, %ne3A_160 : i32
      %lt3A_162 = arith.constant 0 : i32
      %lt3A_163 = arith.cmpi slt, %rem3A_159, %lt3A_162 : i32
      %lt3A_164 = arith.constant 0 : i32
      %lt3A_165 = arith.cmpi slt, %select_n3A_158, %lt3A_164 : i32
      %ne3A_166 = arith.xori %lt3A_163, %lt3A_165 : i1
      %and3A_167 = arith.andi %ne3A_166, %ne3A_161 : i1
      %add3A_168 = arith.addi %rem3A_159, %select_n3A_158 : i32
      %select_n3A_169 = arith.select %and3A_167, %add3A_168, %rem3A_159 : i32
      %mul3A_170 = arith.constant 16 : i32
      %mul3A_171 = arith.muli %select_n3A_169, %mul3A_170 : i32
      %swap3A_172 = arith.index_cast %select_n3A_153 : i32 to index
      %swap3A_173 = arith.index_cast %mul3A_171 : i32 to index
      %swap3A_174 = tpu.vector_load %arg9[%swap3A_172, %swap3A_173] {strides = array<i32>} : memref<320x128xf32, #tpu.memory_space<vmem>>, vector<1x16xf32>,
      %swap3A_175 = vector.shape_cast %swap3A_174 : vector<1x16xf32> to vector<16xf32>
      %swap3A_176 = vector.shape_cast %broadcast_in_dim3A_129 : vector<16xf32> to vector<1x16xf32>
      tpu.vector_store %arg9[%swap3A_172, %swap3A_173], %swap3A_176 {strides = array<i32>} : memref<320x128xf32, #tpu.memory_space<vmem>>, vector<1x16xf32>,
      %scan3A_177 = arith.constant 0 : i32
      %scan3A_178 = arith.constant 3 : i32
      %scan3A_179 = arith.addi %scan3A_33, %scan3A_178 : i32
      %broadcast_in_dim3A_180 = arith.constant 0.000000e+00 : f32
      %broadcast_in_dim3A_181 = vector.broadcast %broadcast_in_dim3A_180 : f32 to vector<16xf32>
      %jit3A_182 = arith.constant 8 : i32
      %div3A_183 = arith.divsi %scan3A_179, %jit3A_182 : i32
      %sign3A_184 = arith.constant 0 : i32
      %sign3A_185 = arith.cmpi sgt, %scan3A_179, %sign3A_184 : i32
      %sign3A_186 = arith.extui %sign3A_185 : i1 to i32
      %sign3A_187 = arith.constant 0 : i32
      %sign3A_188 = arith.cmpi slt, %scan3A_179, %sign3A_187 : i32
      %sign3A_189 = arith.extui %sign3A_188 : i1 to i32
      %sign3A_190 = arith.subi %sign3A_186, %sign3A_189 : i32
      %sign3A_191 = arith.constant 0 : i32
      %sign3A_192 = arith.cmpi sgt, %jit3A_182, %sign3A_191 : i32
      %sign3A_193 = arith.extui %sign3A_192 : i1 to i32
      %sign3A_194 = arith.constant 0 : i32
      %sign3A_195 = arith.cmpi slt, %jit3A_182, %sign3A_194 : i32
      %sign3A_196 = arith.extui %sign3A_195 : i1 to i32
      %sign3A_197 = arith.subi %sign3A_193, %sign3A_196 : i32
      %ne3A_198 = arith.cmpi ne, %sign3A_190, %sign3A_197 : i32
      %rem3A_199 = arith.remsi %scan3A_179, %jit3A_182 : i32
      %ne3A_200 = arith.constant 0 : i32
      %ne3A_201 = arith.cmpi ne, %rem3A_199, %ne3A_200 : i32
      %and3A_202 = arith.andi %ne3A_198, %ne3A_201 : i1
      %sub3A_203 = arith.constant 1 : i32
      %sub3A_204 = arith.subi %div3A_183, %sub3A_203 : i32
      %select_n3A_205 = arith.select %and3A_202, %sub3A_204, %div3A_183 : i32
      %jit3A_206 = arith.constant 8 : i32
      %eq3A_207 = arith.constant 0 : i32
      %eq3A_208 = arith.cmpi eq, %jit3A_206, %eq3A_207 : i32
      %jit3A_209 = arith.constant 1 : i32
      %select_n3A_210 = arith.select %eq3A_208, %jit3A_209, %jit3A_206 : i32
      %rem3A_211 = arith.remsi %scan3A_179, %select_n3A_210 : i32
      %ne3A_212 = arith.constant 0 : i32
      %ne3A_213 = arith.cmpi ne, %rem3A_211, %ne3A_212 : i32
      %lt3A_214 = arith.constant 0 : i32
      %lt3A_215 = arith.cmpi slt, %rem3A_211, %lt3A_214 : i32
      %lt3A_216 = arith.constant 0 : i32
      %lt3A_217 = arith.cmpi slt, %select_n3A_210, %lt3A_216 : i32
      %ne3A_218 = arith.xori %lt3A_215, %lt3A_217 : i1
      %and3A_219 = arith.andi %ne3A_218, %ne3A_213 : i1
      %add3A_220 = arith.addi %rem3A_211, %select_n3A_210 : i32
      %select_n3A_221 = arith.select %and3A_219, %add3A_220, %rem3A_211 : i32
      %mul3A_222 = arith.constant 16 : i32
      %mul3A_223 = arith.muli %select_n3A_221, %mul3A_222 : i32
      %swap3A_224 = arith.index_cast %select_n3A_205 : i32 to index
      %swap3A_225 = arith.index_cast %mul3A_223 : i32 to index
      %swap3A_226 = tpu.vector_load %arg9[%swap3A_224, %swap3A_225] {strides = array<i32>} : memref<320x128xf32, #tpu.memory_space<vmem>>, vector<1x16xf32>,
      %swap3A_227 = vector.shape_cast %swap3A_226 : vector<1x16xf32> to vector<16xf32>
      %swap3A_228 = vector.shape_cast %broadcast_in_dim3A_181 : vector<16xf32> to vector<1x16xf32>
      tpu.vector_store %arg9[%swap3A_224, %swap3A_225], %swap3A_228 {strides = array<i32>} : memref<320x128xf32, #tpu.memory_space<vmem>>, vector<1x16xf32>,
      %scan3A_229 = arith.constant 0 : i32
      %scan3A_230 = arith.constant 4 : i32
      %scan3A_231 = arith.addi %scan3A_33, %scan3A_230 : i32
      %broadcast_in_dim3A_232 = arith.constant 0.000000e+00 : f32
      %broadcast_in_dim3A_233 = vector.broadcast %broadcast_in_dim3A_232 : f32 to vector<16xf32>
      %jit3A_234 = arith.constant 8 : i32
      %div3A_235 = arith.divsi %scan3A_231, %jit3A_234 : i32
      %sign3A_236 = arith.constant 0 : i32
      %sign3A_237 = arith.cmpi sgt, %scan3A_231, %sign3A_236 : i32
      %sign3A_238 = arith.extui %sign3A_237 : i1 to i32
      %sign3A_239 = arith.constant 0 : i32
      %sign3A_240 = arith.cmpi slt, %scan3A_231, %sign3A_239 : i32
      %sign3A_241 = arith.extui %sign3A_240 : i1 to i32
      %sign3A_242 = arith.subi %sign3A_238, %sign3A_241 : i32
      %sign3A_243 = arith.constant 0 : i32
      %sign3A_244 = arith.cmpi sgt, %jit3A_234, %sign3A_243 : i32
      %sign3A_245 = arith.extui %sign3A_244 : i1 to i32
      %sign3A_246 = arith.constant 0 : i32
      %sign3A_247 = arith.cmpi slt, %jit3A_234, %sign3A_246 : i32
      %sign3A_248 = arith.extui %sign3A_247 : i1 to i32
      %sign3A_249 = arith.subi %sign3A_245, %sign3A_248 : i32
      %ne3A_250 = arith.cmpi ne, %sign3A_242, %sign3A_249 : i32
      %rem3A_251 = arith.remsi %scan3A_231, %jit3A_234 : i32
      %ne3A_252 = arith.constant 0 : i32
      %ne3A_253 = arith.cmpi ne, %rem3A_251, %ne3A_252 : i32
      %and3A_254 = arith.andi %ne3A_250, %ne3A_253 : i1
      %sub3A_255 = arith.constant 1 : i32
      %sub3A_256 = arith.subi %div3A_235, %sub3A_255 : i32
      %select_n3A_257 = arith.select %and3A_254, %sub3A_256, %div3A_235 : i32
      %jit3A_258 = arith.constant 8 : i32
      %eq3A_259 = arith.constant 0 : i32
      %eq3A_260 = arith.cmpi eq, %jit3A_258, %eq3A_259 : i32
      %jit3A_261 = arith.constant 1 : i32
      %select_n3A_262 = arith.select %eq3A_260, %jit3A_261, %jit3A_258 : i32
      %rem3A_263 = arith.remsi %scan3A_231, %select_n3A_262 : i32
      %ne3A_264 = arith.constant 0 : i32
      %ne3A_265 = arith.cmpi ne, %rem3A_263, %ne3A_264 : i32
      %lt3A_266 = arith.constant 0 : i32
      %lt3A_267 = arith.cmpi slt, %rem3A_263, %lt3A_266 : i32
      %lt3A_268 = arith.constant 0 : i32
      %lt3A_269 = arith.cmpi slt, %select_n3A_262, %lt3A_268 : i32
      %ne3A_270 = arith.xori %lt3A_267, %lt3A_269 : i1
      %and3A_271 = arith.andi %ne3A_270, %ne3A_265 : i1
      %add3A_272 = arith.addi %rem3A_263, %select_n3A_262 : i32
      %select_n3A_273 = arith.select %and3A_271, %add3A_272, %rem3A_263 : i32
      %mul3A_274 = arith.constant 16 : i32
      %mul3A_275 = arith.muli %select_n3A_273, %mul3A_274 : i32
      %swap3A_276 = arith.index_cast %select_n3A_257 : i32 to index
      %swap3A_277 = arith.index_cast %mul3A_275 : i32 to index
      %swap3A_278 = tpu.vector_load %arg9[%swap3A_276, %swap3A_277] {strides = array<i32>} : memref<320x128xf32, #tpu.memory_space<vmem>>, vector<1x16xf32>,
      %swap3A_279 = vector.shape_cast %swap3A_278 : vector<1x16xf32> to vector<16xf32>
      %swap3A_280 = vector.shape_cast %broadcast_in_dim3A_233 : vector<16xf32> to vector<1x16xf32>
      tpu.vector_store %arg9[%swap3A_276, %swap3A_277], %swap3A_280 {strides = array<i32>} : memref<320x128xf32, #tpu.memory_space<vmem>>, vector<1x16xf32>,
      %scan3A_281 = arith.constant 0 : i32
      %scan3A_282 = arith.constant 5 : i32
      %scan3A_283 = arith.addi %scan3A_33, %scan3A_282 : i32
      %broadcast_in_dim3A_284 = arith.constant 0.000000e+00 : f32
      %broadcast_in_dim3A_285 = vector.broadcast %broadcast_in_dim3A_284 : f32 to vector<16xf32>
      %jit3A_286 = arith.constant 8 : i32
      %div3A_287 = arith.divsi %scan3A_283, %jit3A_286 : i32
      %sign3A_288 = arith.constant 0 : i32
      %sign3A_289 = arith.cmpi sgt, %scan3A_283, %sign3A_288 : i32
      %sign3A_290 = arith.extui %sign3A_289 : i1 to i32
      %sign3A_291 = arith.constant 0 : i32
      %sign3A_292 = arith.cmpi slt, %scan3A_283, %sign3A_291 : i32
      %sign3A_293 = arith.extui %sign3A_292 : i1 to i32
      %sign3A_294 = arith.subi %sign3A_290, %sign3A_293 : i32
      %sign3A_295 = arith.constant 0 : i32
      %sign3A_296 = arith.cmpi sgt, %jit3A_286, %sign3A_295 : i32
      %sign3A_297 = arith.extui %sign3A_296 : i1 to i32
      %sign3A_298 = arith.constant 0 : i32
      %sign3A_299 = arith.cmpi slt, %jit3A_286, %sign3A_298 : i32
      %sign3A_300 = arith.extui %sign3A_299 : i1 to i32
      %sign3A_301 = arith.subi %sign3A_297, %sign3A_300 : i32
      %ne3A_302 = arith.cmpi ne, %sign3A_294, %sign3A_301 : i32
      %rem3A_303 = arith.remsi %scan3A_283, %jit3A_286 : i32
      %ne3A_304 = arith.constant 0 : i32
      %ne3A_305 = arith.cmpi ne, %rem3A_303, %ne3A_304 : i32
      %and3A_306 = arith.andi %ne3A_302, %ne3A_305 : i1
      %sub3A_307 = arith.constant 1 : i32
      %sub3A_308 = arith.subi %div3A_287, %sub3A_307 : i32
      %select_n3A_309 = arith.select %and3A_306, %sub3A_308, %div3A_287 : i32
      %jit3A_310 = arith.constant 8 : i32
      %eq3A_311 = arith.constant 0 : i32
      %eq3A_312 = arith.cmpi eq, %jit3A_310, %eq3A_311 : i32
      %jit3A_313 = arith.constant 1 : i32
      %select_n3A_314 = arith.select %eq3A_312, %jit3A_313, %jit3A_310 : i32
      %rem3A_315 = arith.remsi %scan3A_283, %select_n3A_314 : i32
      %ne3A_316 = arith.constant 0 : i32
      %ne3A_317 = arith.cmpi ne, %rem3A_315, %ne3A_316 : i32
      %lt3A_318 = arith.constant 0 : i32
      %lt3A_319 = arith.cmpi slt, %rem3A_315, %lt3A_318 : i32
      %lt3A_320 = arith.constant 0 : i32
      %lt3A_321 = arith.cmpi slt, %select_n3A_314, %lt3A_320 : i32
      %ne3A_322 = arith.xori %lt3A_319, %lt3A_321 : i1
      %and3A_323 = arith.andi %ne3A_322, %ne3A_317 : i1
      %add3A_324 = arith.addi %rem3A_315, %select_n3A_314 : i32
      %select_n3A_325 = arith.select %and3A_323, %add3A_324, %rem3A_315 : i32
      %mul3A_326 = arith.constant 16 : i32
      %mul3A_327 = arith.muli %select_n3A_325, %mul3A_326 : i32
      %swap3A_328 = arith.index_cast %select_n3A_309 : i32 to index
      %swap3A_329 = arith.index_cast %mul3A_327 : i32 to index
      %swap3A_330 = tpu.vector_load %arg9[%swap3A_328, %swap3A_329] {strides = array<i32>} : memref<320x128xf32, #tpu.memory_space<vmem>>, vector<1x16xf32>,
      %swap3A_331 = vector.shape_cast %swap3A_330 : vector<1x16xf32> to vector<16xf32>
      %swap3A_332 = vector.shape_cast %broadcast_in_dim3A_285 : vector<16xf32> to vector<1x16xf32>
      tpu.vector_store %arg9[%swap3A_328, %swap3A_329], %swap3A_332 {strides = array<i32>} : memref<320x128xf32, #tpu.memory_space<vmem>>, vector<1x16xf32>,
      %scan3A_333 = arith.constant 0 : i32
      %scan3A_334 = arith.constant 6 : i32
      %scan3A_335 = arith.addi %scan3A_33, %scan3A_334 : i32
      %broadcast_in_dim3A_336 = arith.constant 0.000000e+00 : f32
      %broadcast_in_dim3A_337 = vector.broadcast %broadcast_in_dim3A_336 : f32 to vector<16xf32>
      %jit3A_338 = arith.constant 8 : i32
      %div3A_339 = arith.divsi %scan3A_335, %jit3A_338 : i32
      %sign3A_340 = arith.constant 0 : i32
      %sign3A_341 = arith.cmpi sgt, %scan3A_335, %sign3A_340 : i32
      %sign3A_342 = arith.extui %sign3A_341 : i1 to i32
      %sign3A_343 = arith.constant 0 : i32
      %sign3A_344 = arith.cmpi slt, %scan3A_335, %sign3A_343 : i32
      %sign3A_345 = arith.extui %sign3A_344 : i1 to i32
      %sign3A_346 = arith.subi %sign3A_342, %sign3A_345 : i32
      %sign3A_347 = arith.constant 0 : i32
      %sign3A_348 = arith.cmpi sgt, %jit3A_338, %sign3A_347 : i32
      %sign3A_349 = arith.extui %sign3A_348 : i1 to i32
      %sign3A_350 = arith.constant 0 : i32
      %sign3A_351 = arith.cmpi slt, %jit3A_338, %sign3A_350 : i32
      %sign3A_352 = arith.extui %sign3A_351 : i1 to i32
      %sign3A_353 = arith.subi %sign3A_349, %sign3A_352 : i32
      %ne3A_354 = arith.cmpi ne, %sign3A_346, %sign3A_353 : i32
      %rem3A_355 = arith.remsi %scan3A_335, %jit3A_338 : i32
      %ne3A_356 = arith.constant 0 : i32
      %ne3A_357 = arith.cmpi ne, %rem3A_355, %ne3A_356 : i32
      %and3A_358 = arith.andi %ne3A_354, %ne3A_357 : i1
      %sub3A_359 = arith.constant 1 : i32
      %sub3A_360 = arith.subi %div3A_339, %sub3A_359 : i32
      %select_n3A_361 = arith.select %and3A_358, %sub3A_360, %div3A_339 : i32
      %jit3A_362 = arith.constant 8 : i32
      %eq3A_363 = arith.constant 0 : i32
      %eq3A_364 = arith.cmpi eq, %jit3A_362, %eq3A_363 : i32
      %jit3A_365 = arith.constant 1 : i32
      %select_n3A_366 = arith.select %eq3A_364, %jit3A_365, %jit3A_362 : i32
      %rem3A_367 = arith.remsi %scan3A_335, %select_n3A_366 : i32
      %ne3A_368 = arith.constant 0 : i32
      %ne3A_369 = arith.cmpi ne, %rem3A_367, %ne3A_368 : i32
      %lt3A_370 = arith.constant 0 : i32
      %lt3A_371 = arith.cmpi slt, %rem3A_367, %lt3A_370 : i32
      %lt3A_372 = arith.constant 0 : i32
      %lt3A_373 = arith.cmpi slt, %select_n3A_366, %lt3A_372 : i32
      %ne3A_374 = arith.xori %lt3A_371, %lt3A_373 : i1
      %and3A_375 = arith.andi %ne3A_374, %ne3A_369 : i1
      %add3A_376 = arith.addi %rem3A_367, %select_n3A_366 : i32
      %select_n3A_377 = arith.select %and3A_375, %add3A_376, %rem3A_367 : i32
      %mul3A_378 = arith.constant 16 : i32
      %mul3A_379 = arith.muli %select_n3A_377, %mul3A_378 : i32
      %swap3A_380 = arith.index_cast %select_n3A_361 : i32 to index
      %swap3A_381 = arith.index_cast %mul3A_379 : i32 to index
      %swap3A_382 = tpu.vector_load %arg9[%swap3A_380, %swap3A_381] {strides = array<i32>} : memref<320x128xf32, #tpu.memory_space<vmem>>, vector<1x16xf32>,
      %swap3A_383 = vector.shape_cast %swap3A_382 : vector<1x16xf32> to vector<16xf32>
      %swap3A_384 = vector.shape_cast %broadcast_in_dim3A_337 : vector<16xf32> to vector<1x16xf32>
      tpu.vector_store %arg9[%swap3A_380, %swap3A_381], %swap3A_384 {strides = array<i32>} : memref<320x128xf32, #tpu.memory_space<vmem>>, vector<1x16xf32>,
      %scan3A_385 = arith.constant 0 : i32
      %scan3A_386 = arith.constant 7 : i32
      %scan3A_387 = arith.addi %scan3A_33, %scan3A_386 : i32
      %broadcast_in_dim3A_388 = arith.constant 0.000000e+00 : f32
      %broadcast_in_dim3A_389 = vector.broadcast %broadcast_in_dim3A_388 : f32 to vector<16xf32>
      %jit3A_390 = arith.constant 8 : i32
      %div3A_391 = arith.divsi %scan3A_387, %jit3A_390 : i32
      %sign3A_392 = arith.constant 0 : i32
      %sign3A_393 = arith.cmpi sgt, %scan3A_387, %sign3A_392 : i32
      %sign3A_394 = arith.extui %sign3A_393 : i1 to i32
      %sign3A_395 = arith.constant 0 : i32
      %sign3A_396 = arith.cmpi slt, %scan3A_387, %sign3A_395 : i32
      %sign3A_397 = arith.extui %sign3A_396 : i1 to i32
      %sign3A_398 = arith.subi %sign3A_394, %sign3A_397 : i32
      %sign3A_399 = arith.constant 0 : i32
      %sign3A_400 = arith.cmpi sgt, %jit3A_390, %sign3A_399 : i32
      %sign3A_401 = arith.extui %sign3A_400 : i1 to i32
      %sign3A_402 = arith.constant 0 : i32
      %sign3A_403 = arith.cmpi slt, %jit3A_390, %sign3A_402 : i32
      %sign3A_404 = arith.extui %sign3A_403 : i1 to i32
      %sign3A_405 = arith.subi %sign3A_401, %sign3A_404 : i32
      %ne3A_406 = arith.cmpi ne, %sign3A_398, %sign3A_405 : i32
      %rem3A_407 = arith.remsi %scan3A_387, %jit3A_390 : i32
      %ne3A_408 = arith.constant 0 : i32
      %ne3A_409 = arith.cmpi ne, %rem3A_407, %ne3A_408 : i32
      %and3A_410 = arith.andi %ne3A_406, %ne3A_409 : i1
      %sub3A_411 = arith.constant 1 : i32
      %sub3A_412 = arith.subi %div3A_391, %sub3A_411 : i32
      %select_n3A_413 = arith.select %and3A_410, %sub3A_412, %div3A_391 : i32
      %jit3A_414 = arith.constant 8 : i32
      %eq3A_415 = arith.constant 0 : i32
      %eq3A_416 = arith.cmpi eq, %jit3A_414, %eq3A_415 : i32
      %jit3A_417 = arith.constant 1 : i32
      %select_n3A_418 = arith.select %eq3A_416, %jit3A_417, %jit3A_414 : i32
      %rem3A_419 = arith.remsi %scan3A_387, %select_n3A_418 : i32
      %ne3A_420 = arith.constant 0 : i32
      %ne3A_421 = arith.cmpi ne, %rem3A_419, %ne3A_420 : i32
      %lt3A_422 = arith.constant 0 : i32
      %lt3A_423 = arith.cmpi slt, %rem3A_419, %lt3A_422 : i32
      %lt3A_424 = arith.constant 0 : i32
      %lt3A_425 = arith.cmpi slt, %select_n3A_418, %lt3A_424 : i32
      %ne3A_426 = arith.xori %lt3A_423, %lt3A_425 : i1
      %and3A_427 = arith.andi %ne3A_426, %ne3A_421 : i1
      %add3A_428 = arith.addi %rem3A_419, %select_n3A_418 : i32
      %select_n3A_429 = arith.select %and3A_427, %add3A_428, %rem3A_419 : i32
      %mul3A_430 = arith.constant 16 : i32
      %mul3A_431 = arith.muli %select_n3A_429, %mul3A_430 : i32
      %swap3A_432 = arith.index_cast %select_n3A_413 : i32 to index
      %swap3A_433 = arith.index_cast %mul3A_431 : i32 to index
      %swap3A_434 = tpu.vector_load %arg9[%swap3A_432, %swap3A_433] {strides = array<i32>} : memref<320x128xf32, #tpu.memory_space<vmem>>, vector<1x16xf32>,
      %swap3A_435 = vector.shape_cast %swap3A_434 : vector<1x16xf32> to vector<16xf32>
      %swap3A_436 = vector.shape_cast %broadcast_in_dim3A_389 : vector<16xf32> to vector<1x16xf32>
      tpu.vector_store %arg9[%swap3A_432, %swap3A_433], %swap3A_436 {strides = array<i32>} : memref<320x128xf32, #tpu.memory_space<vmem>>, vector<1x16xf32>,
      %scan3A_437 = arith.constant 0 : i32
      scf.yield %scan3A_437 : i32
    }
    %scan3A_5 = arith.constant 2560 : i32
    %lt3A = arith.constant 15 : i32
    %lt3A_6 = arith.cmpi slt, %arg1, %lt3A : i32
    %convert_element_type3A = arith.extui %lt3A_6 : i1 to i32
    %cond3A = arith.constant 0 : i32
    %cond3A_7 = arith.cmpi ne, %convert_element_type3A, %cond3A : i32
    scf.if %cond3A_7 {
      %mul3A_33 = arith.constant 320 : i32
      %mul3A_34 = arith.muli %arg1, %mul3A_33 : i32
      "tpu.region"() ({
        %run_scoped3A = tpu.sem_alloc : memref<!tpu.dma_semaphore, #tpu.memory_space<semaphore_mem>>
        %dma_start3A = arith.constant 0 : i32
        %dma_start3A_35 = tpu.memref_slice %arg10[%mul3A_34, %dma_start3A] : memref<5008x128xf32, #tpu.memory_space<vmem_shared>> -> memref<320x128xf32, #tpu.memory_space<vmem_shared>>
        %dma_start3A_36 = arith.constant 0 : i32
        %dma_start3A_37 = tpu.memref_slice %arg10[%mul3A_34, %dma_start3A_36] : memref<5008x128xf32, #tpu.memory_space<vmem_shared>> -> memref<320x128xf32, #tpu.memory_space<vmem_shared>>
        tpu.enqueue_dma source(%arg9 : memref<320x128xf32, #tpu.memory_space<vmem>>) target(%dma_start3A_37 : memref<320x128xf32, #tpu.memory_space<vmem_shared>>) target_semaphore(%run_scoped3A : memref<!tpu.dma_semaphore, #tpu.memory_space<semaphore_mem>>)
        %dma_wait3A = arith.constant 0 : i32
        %dma_wait3A_38 = tpu.memref_slice %arg10[%mul3A_34, %dma_wait3A] : memref<5008x128xf32, #tpu.memory_space<vmem_shared>> -> memref<320x128xf32, #tpu.memory_space<vmem_shared>>
        %dma_wait3A_39 = arith.constant 0 : i32
        %dma_wait3A_40 = tpu.memref_slice %arg10[%mul3A_34, %dma_wait3A_39] : memref<5008x128xf32, #tpu.memory_space<vmem_shared>> -> memref<320x128xf32, #tpu.memory_space<vmem_shared>>
        tpu.wait_dma2 semaphore(%run_scoped3A : memref<!tpu.dma_semaphore, #tpu.memory_space<semaphore_mem>>) src(%arg9 : memref<320x128xf32, #tpu.memory_space<vmem>>) dst(%dma_wait3A_40 : memref<320x128xf32, #tpu.memory_space<vmem_shared>>)
        tpu.yield
      }) : () -> ()
    } else {
    }
    %eq3A = arith.constant 15 : i32
    %eq3A_8 = arith.cmpi eq, %arg1, %eq3A : i32
    %convert_element_type3A_9 = arith.extui %eq3A_8 : i1 to i32
    %cond3A_10 = arith.constant 0 : i32
    %cond3A_11 = arith.cmpi ne, %convert_element_type3A_9, %cond3A_10 : i32
    scf.if %cond3A_11 {
      %mul3A_33 = arith.constant 320 : i32
      %mul3A_34 = arith.muli %arg1, %mul3A_33 : i32
      "tpu.region"() ({
        %run_scoped3A = tpu.sem_alloc : memref<!tpu.dma_semaphore, #tpu.memory_space<semaphore_mem>>
        %dma_start3A = arith.constant 0 : i32
        %dma_start3A_35 = arith.constant 0 : i32
        %dma_start3A_36 = tpu.memref_slice %arg9[%dma_start3A, %dma_start3A_35] : memref<320x128xf32, #tpu.memory_space<vmem>> -> memref<208x128xf32, #tpu.memory_space<vmem>>
        %dma_start3A_37 = arith.constant 0 : i32
        %dma_start3A_38 = tpu.memref_slice %arg10[%mul3A_34, %dma_start3A_37] : memref<5008x128xf32, #tpu.memory_space<vmem_shared>> -> memref<208x128xf32, #tpu.memory_space<vmem_shared>>
        %dma_start3A_39 = arith.constant 0 : i32
        %dma_start3A_40 = tpu.memref_slice %arg10[%mul3A_34, %dma_start3A_39] : memref<5008x128xf32, #tpu.memory_space<vmem_shared>> -> memref<208x128xf32, #tpu.memory_space<vmem_shared>>
        %dma_start3A_41 = arith.constant 0 : i32
        %dma_start3A_42 = arith.constant 0 : i32
        %dma_start3A_43 = tpu.memref_slice %arg9[%dma_start3A_41, %dma_start3A_42] : memref<320x128xf32, #tpu.memory_space<vmem>> -> memref<208x128xf32, #tpu.memory_space<vmem>>
        tpu.enqueue_dma source(%dma_start3A_43 : memref<208x128xf32, #tpu.memory_space<vmem>>) target(%dma_start3A_40 : memref<208x128xf32, #tpu.memory_space<vmem_shared>>) target_semaphore(%run_scoped3A : memref<!tpu.dma_semaphore, #tpu.memory_space<semaphore_mem>>)
        %dma_wait3A = arith.constant 0 : i32
        %dma_wait3A_44 = arith.constant 0 : i32
        %dma_wait3A_45 = tpu.memref_slice %arg9[%dma_wait3A, %dma_wait3A_44] : memref<320x128xf32, #tpu.memory_space<vmem>> -> memref<208x128xf32, #tpu.memory_space<vmem>>
        %dma_wait3A_46 = arith.constant 0 : i32
        %dma_wait3A_47 = tpu.memref_slice %arg10[%mul3A_34, %dma_wait3A_46] : memref<5008x128xf32, #tpu.memory_space<vmem_shared>> -> memref<208x128xf32, #tpu.memory_space<vmem_shared>>
        %dma_wait3A_48 = arith.constant 0 : i32
        %dma_wait3A_49 = tpu.memref_slice %arg10[%mul3A_34, %dma_wait3A_48] : memref<5008x128xf32, #tpu.memory_space<vmem_shared>> -> memref<208x128xf32, #tpu.memory_space<vmem_shared>>
        %dma_wait3A_50 = arith.constant 0 : i32
        %dma_wait3A_51 = arith.constant 0 : i32
        %dma_wait3A_52 = tpu.memref_slice %arg9[%dma_wait3A_50, %dma_wait3A_51] : memref<320x128xf32, #tpu.memory_space<vmem>> -> memref<208x128xf32, #tpu.memory_space<vmem>>
        tpu.wait_dma2 semaphore(%run_scoped3A : memref<!tpu.dma_semaphore, #tpu.memory_space<semaphore_mem>>) src(%dma_wait3A_52 : memref<208x128xf32, #tpu.memory_space<vmem>>) dst(%dma_wait3A_49 : memref<208x128xf32, #tpu.memory_space<vmem_shared>>)
        tpu.yield
      }) : () -> ()
    } else {
    }
    %barrier3A = arith.constant 0 : index
    tpu.barrier barrier_id(%barrier3A)
    %mul3A = arith.constant 20000 : i32
    %mul3A_12 = arith.muli %arg1, %mul3A : i32
    %mul3A_13 = arith.constant 5000 : i32
    %mul3A_14 = arith.muli %arg0, %mul3A_13 : i32
    %scan3A_15 = arith.constant 0 : i32
    %scan3A_16 = arith.constant 0 : i32
    %scan3A_17 = arith.constant 250 : i32
    %scan3A_18 = arith.addi %scan3A_16, %scan3A_17 : i32
    %scan3A_19 = arith.constant 1 : i32
    %scan3A_20 = scf.for %scan3A_33 = %scan3A_16 to %scan3A_18 step %scan3A_19 iter_args(%scan3A_34 = %scan3A_15) -> (i32)  : i32 {
      %mul3A_35 = arith.constant 80 : i32
      %mul3A_36 = arith.muli %scan3A_33, %mul3A_35 : i32
      %add3A = arith.addi %mul3A_12, %mul3A_36 : i32
      "tpu.region"() ({
        %run_scoped3A_183 = tpu.sem_alloc : memref<!tpu.dma_semaphore, #tpu.memory_space<semaphore_mem>>
        %dma_start3A_184 = tpu.memref_slice %arg3[%add3A] : memref<320000xi32, #tpu.memory_space<hbm>> -> memref<80xi32, #tpu.memory_space<hbm>>
        %dma_start3A_185 = tpu.memref_slice %arg3[%add3A] : memref<320000xi32, #tpu.memory_space<hbm>> -> memref<80xi32, #tpu.memory_space<hbm>>
        tpu.enqueue_dma source(%dma_start3A_185 : memref<80xi32, #tpu.memory_space<hbm>>) target(%arg6 : memref<80xi32, #tpu.memory_space<vmem>>) target_semaphore(%run_scoped3A_183 : memref<!tpu.dma_semaphore, #tpu.memory_space<semaphore_mem>>)
        %dma_wait3A_186 = tpu.memref_slice %arg3[%add3A] : memref<320000xi32, #tpu.memory_space<hbm>> -> memref<80xi32, #tpu.memory_space<hbm>>
        %dma_wait3A_187 = tpu.memref_slice %arg3[%add3A] : memref<320000xi32, #tpu.memory_space<hbm>> -> memref<80xi32, #tpu.memory_space<hbm>>
        tpu.wait_dma2 semaphore(%run_scoped3A_183 : memref<!tpu.dma_semaphore, #tpu.memory_space<semaphore_mem>>) src(%dma_wait3A_187 : memref<80xi32, #tpu.memory_space<hbm>>) dst(%arg6 : memref<80xi32, #tpu.memory_space<vmem>>)
        tpu.yield
      }) : () -> ()
      %run_scoped3A = arith.constant 0 : i32
      "tpu.region"() ({
        %run_scoped3A_183 = tpu.sem_alloc : memref<!tpu.dma_semaphore, #tpu.memory_space<semaphore_mem>>
        %dma_start3A_184 = arith.constant 0 : i32
        %dma_start3A_185 = tpu.memref_slice %arg7[%run_scoped3A, %dma_start3A_184] : memref<1x80xi32, #tpu.memory_space<vmem>> -> memref<1x80xi32, #tpu.memory_space<vmem>>
        %dma_start3A_186 = tpu.memref_squeeze %dma_start3A_185 : memref<1x80xi32, #tpu.memory_space<vmem>> -> memref<80xi32, #tpu.memory_space<vmem>>
        %dma_start3A_187 = tpu.memref_slice %arg4[%add3A] : memref<320000xi32, #tpu.memory_space<hbm>> -> memref<80xi32, #tpu.memory_space<hbm>>
        %dma_start3A_188 = arith.constant 0 : i32
        %dma_start3A_189 = tpu.memref_slice %arg7[%run_scoped3A, %dma_start3A_188] : memref<1x80xi32, #tpu.memory_space<vmem>> -> memref<1x80xi32, #tpu.memory_space<vmem>>
        %dma_start3A_190 = tpu.memref_squeeze %dma_start3A_189 : memref<1x80xi32, #tpu.memory_space<vmem>> -> memref<80xi32, #tpu.memory_space<vmem>>
        %dma_start3A_191 = tpu.memref_slice %arg4[%add3A] : memref<320000xi32, #tpu.memory_space<hbm>> -> memref<80xi32, #tpu.memory_space<hbm>>
        tpu.enqueue_dma source(%dma_start3A_191 : memref<80xi32, #tpu.memory_space<hbm>>) target(%dma_start3A_190 : memref<80xi32, #tpu.memory_space<vmem>>) target_semaphore(%run_scoped3A_183 : memref<!tpu.dma_semaphore, #tpu.memory_space<semaphore_mem>>)
        %dma_wait3A_192 = arith.constant 0 : i32
        %dma_wait3A_193 = tpu.memref_slice %arg7[%run_scoped3A, %dma_wait3A_192] : memref<1x80xi32, #tpu.memory_space<vmem>> -> memref<1x80xi32, #tpu.memory_space<vmem>>
        %dma_wait3A_194 = tpu.memref_squeeze %dma_wait3A_193 : memref<1x80xi32, #tpu.memory_space<vmem>> -> memref<80xi32, #tpu.memory_space<vmem>>
        %dma_wait3A_195 = tpu.memref_slice %arg4[%add3A] : memref<320000xi32, #tpu.memory_space<hbm>> -> memref<80xi32, #tpu.memory_space<hbm>>
        %dma_wait3A_196 = arith.constant 0 : i32
        %dma_wait3A_197 = tpu.memref_slice %arg7[%run_scoped3A, %dma_wait3A_196] : memref<1x80xi32, #tpu.memory_space<vmem>> -> memref<1x80xi32, #tpu.memory_space<vmem>>
        %dma_wait3A_198 = tpu.memref_squeeze %dma_wait3A_197 : memref<1x80xi32, #tpu.memory_space<vmem>> -> memref<80xi32, #tpu.memory_space<vmem>>
        %dma_wait3A_199 = tpu.memref_slice %arg4[%add3A] : memref<320000xi32, #tpu.memory_space<hbm>> -> memref<80xi32, #tpu.memory_space<hbm>>
        tpu.wait_dma2 semaphore(%run_scoped3A_183 : memref<!tpu.dma_semaphore, #tpu.memory_space<semaphore_mem>>) src(%dma_wait3A_199 : memref<80xi32, #tpu.memory_space<hbm>>) dst(%dma_wait3A_198 : memref<80xi32, #tpu.memory_space<vmem>>)
        tpu.yield
      }) : () -> ()
      %scan3A_37 = arith.constant 0 : i32
      %scan3A_38 = arith.constant 0 : i32
      %mul3A_39 = arith.constant 16 : i32
      %mul3A_40 = arith.muli %scan3A_38, %mul3A_39 : i32
      %get3A = arith.constant 0 : i32
      %get3A_41 = arith.index_cast %get3A : i32 to index
      %get3A_42 = arith.index_cast %mul3A_40 : i32 to index
      %get3A_43 = tpu.vector_load %arg7[%get3A_41, %get3A_42] {strides = array<i32>} : memref<1x80xi32, #tpu.memory_space<vmem>>, vector<1x16xi32>,
      %get3A_44 = vector.shape_cast %get3A_43 : vector<1x16xi32> to vector<16xi32>
      %sub3A = vector.broadcast %mul3A_14 : i32 to vector<16xi32>
      %sub3A_45 = arith.subi %get3A_44, %sub3A : vector<16xi32>
      %ge3A = arith.constant 0 : i32
      %ge3A_46 = vector.broadcast %ge3A : i32 to vector<16xi32>
      %ge3A_47 = arith.cmpi sge, %sub3A_45, %ge3A_46 : vector<16xi32>
      %lt3A_48 = arith.constant 5000 : i32
      %lt3A_49 = vector.broadcast %lt3A_48 : i32 to vector<16xi32>
      %lt3A_50 = arith.cmpi slt, %sub3A_45, %lt3A_49 : vector<16xi32>
      %and3A = arith.andi %ge3A_47, %lt3A_50 : vector<16xi1>
      %broadcast_in_dim3A = arith.constant 5000 : i32
      %broadcast_in_dim3A_51 = vector.broadcast %broadcast_in_dim3A : i32 to vector<16xi32>
      %select_n3A = arith.select %and3A, %sub3A_45, %broadcast_in_dim3A_51 : vector<16xi1>, vector<16xi32>
      %mul3A_52 = arith.constant 16 : i32
      %mul3A_53 = arith.muli %scan3A_38, %mul3A_52 : i32
      %swap3A = arith.constant 0 : i32
      %swap3A_54 = arith.index_cast %swap3A : i32 to index
      %swap3A_55 = arith.index_cast %mul3A_53 : i32 to index
      %swap3A_56 = tpu.vector_load %arg7[%swap3A_54, %swap3A_55] {strides = array<i32>} : memref<1x80xi32, #tpu.memory_space<vmem>>, vector<1x16xi32>,
      %swap3A_57 = vector.shape_cast %swap3A_56 : vector<1x16xi32> to vector<16xi32>
      %swap3A_58 = vector.shape_cast %select_n3A : vector<16xi32> to vector<1x16xi32>
      tpu.vector_store %arg7[%swap3A_54, %swap3A_55], %swap3A_58 {strides = array<i32>} : memref<1x80xi32, #tpu.memory_space<vmem>>, vector<1x16xi32>,
      %scan3A_59 = arith.constant 0 : i32
      %scan3A_60 = arith.constant 1 : i32
      %mul3A_61 = arith.constant 16 : i32
      %mul3A_62 = arith.muli %scan3A_60, %mul3A_61 : i32
      %get3A_63 = arith.constant 0 : i32
      %get3A_64 = arith.index_cast %get3A_63 : i32 to index
      %get3A_65 = arith.index_cast %mul3A_62 : i32 to index
      %get3A_66 = tpu.vector_load %arg7[%get3A_64, %get3A_65] {strides = array<i32>} : memref<1x80xi32, #tpu.memory_space<vmem>>, vector<1x16xi32>,
      %get3A_67 = vector.shape_cast %get3A_66 : vector<1x16xi32> to vector<16xi32>
      %sub3A_68 = vector.broadcast %mul3A_14 : i32 to vector<16xi32>
      %sub3A_69 = arith.subi %get3A_67, %sub3A_68 : vector<16xi32>
      %ge3A_70 = arith.constant 0 : i32
      %ge3A_71 = vector.broadcast %ge3A_70 : i32 to vector<16xi32>
      %ge3A_72 = arith.cmpi sge, %sub3A_69, %ge3A_71 : vector<16xi32>
      %lt3A_73 = arith.constant 5000 : i32
      %lt3A_74 = vector.broadcast %lt3A_73 : i32 to vector<16xi32>
      %lt3A_75 = arith.cmpi slt, %sub3A_69, %lt3A_74 : vector<16xi32>
      %and3A_76 = arith.andi %ge3A_72, %lt3A_75 : vector<16xi1>
      %broadcast_in_dim3A_77 = arith.constant 5000 : i32
      %broadcast_in_dim3A_78 = vector.broadcast %broadcast_in_dim3A_77 : i32 to vector<16xi32>
      %select_n3A_79 = arith.select %and3A_76, %sub3A_69, %broadcast_in_dim3A_78 : vector<16xi1>, vector<16xi32>
      %mul3A_80 = arith.constant 16 : i32
      %mul3A_81 = arith.muli %scan3A_60, %mul3A_80 : i32
      %swap3A_82 = arith.constant 0 : i32
      %swap3A_83 = arith.index_cast %swap3A_82 : i32 to index
      %swap3A_84 = arith.index_cast %mul3A_81 : i32 to index
      %swap3A_85 = tpu.vector_load %arg7[%swap3A_83, %swap3A_84] {strides = array<i32>} : memref<1x80xi32, #tpu.memory_space<vmem>>, vector<1x16xi32>,
      %swap3A_86 = vector.shape_cast %swap3A_85 : vector<1x16xi32> to vector<16xi32>
      %swap3A_87 = vector.shape_cast %select_n3A_79 : vector<16xi32> to vector<1x16xi32>
      tpu.vector_store %arg7[%swap3A_83, %swap3A_84], %swap3A_87 {strides = array<i32>} : memref<1x80xi32, #tpu.memory_space<vmem>>, vector<1x16xi32>,
      %scan3A_88 = arith.constant 0 : i32
      %scan3A_89 = arith.constant 2 : i32
      %mul3A_90 = arith.constant 16 : i32
      %mul3A_91 = arith.muli %scan3A_89, %mul3A_90 : i32
      %get3A_92 = arith.constant 0 : i32
      %get3A_93 = arith.index_cast %get3A_92 : i32 to index
      %get3A_94 = arith.index_cast %mul3A_91 : i32 to index
      %get3A_95 = tpu.vector_load %arg7[%get3A_93, %get3A_94] {strides = array<i32>} : memref<1x80xi32, #tpu.memory_space<vmem>>, vector<1x16xi32>,
      %get3A_96 = vector.shape_cast %get3A_95 : vector<1x16xi32> to vector<16xi32>
      %sub3A_97 = vector.broadcast %mul3A_14 : i32 to vector<16xi32>
      %sub3A_98 = arith.subi %get3A_96, %sub3A_97 : vector<16xi32>
      %ge3A_99 = arith.constant 0 : i32
      %ge3A_100 = vector.broadcast %ge3A_99 : i32 to vector<16xi32>
      %ge3A_101 = arith.cmpi sge, %sub3A_98, %ge3A_100 : vector<16xi32>
      %lt3A_102 = arith.constant 5000 : i32
      %lt3A_103 = vector.broadcast %lt3A_102 : i32 to vector<16xi32>
      %lt3A_104 = arith.cmpi slt, %sub3A_98, %lt3A_103 : vector<16xi32>
      %and3A_105 = arith.andi %ge3A_101, %lt3A_104 : vector<16xi1>
      %broadcast_in_dim3A_106 = arith.constant 5000 : i32
      %broadcast_in_dim3A_107 = vector.broadcast %broadcast_in_dim3A_106 : i32 to vector<16xi32>
      %select_n3A_108 = arith.select %and3A_105, %sub3A_98, %broadcast_in_dim3A_107 : vector<16xi1>, vector<16xi32>
      %mul3A_109 = arith.constant 16 : i32
      %mul3A_110 = arith.muli %scan3A_89, %mul3A_109 : i32
      %swap3A_111 = arith.constant 0 : i32
      %swap3A_112 = arith.index_cast %swap3A_111 : i32 to index
      %swap3A_113 = arith.index_cast %mul3A_110 : i32 to index
      %swap3A_114 = tpu.vector_load %arg7[%swap3A_112, %swap3A_113] {strides = array<i32>} : memref<1x80xi32, #tpu.memory_space<vmem>>, vector<1x16xi32>,
      %swap3A_115 = vector.shape_cast %swap3A_114 : vector<1x16xi32> to vector<16xi32>
      %swap3A_116 = vector.shape_cast %select_n3A_108 : vector<16xi32> to vector<1x16xi32>
      tpu.vector_store %arg7[%swap3A_112, %swap3A_113], %swap3A_116 {strides = array<i32>} : memref<1x80xi32, #tpu.memory_space<vmem>>, vector<1x16xi32>,
      %scan3A_117 = arith.constant 0 : i32
      %scan3A_118 = arith.constant 3 : i32
      %mul3A_119 = arith.constant 16 : i32
      %mul3A_120 = arith.muli %scan3A_118, %mul3A_119 : i32
      %get3A_121 = arith.constant 0 : i32
      %get3A_122 = arith.index_cast %get3A_121 : i32 to index
      %get3A_123 = arith.index_cast %mul3A_120 : i32 to index
      %get3A_124 = tpu.vector_load %arg7[%get3A_122, %get3A_123] {strides = array<i32>} : memref<1x80xi32, #tpu.memory_space<vmem>>, vector<1x16xi32>,
      %get3A_125 = vector.shape_cast %get3A_124 : vector<1x16xi32> to vector<16xi32>
      %sub3A_126 = vector.broadcast %mul3A_14 : i32 to vector<16xi32>
      %sub3A_127 = arith.subi %get3A_125, %sub3A_126 : vector<16xi32>
      %ge3A_128 = arith.constant 0 : i32
      %ge3A_129 = vector.broadcast %ge3A_128 : i32 to vector<16xi32>
      %ge3A_130 = arith.cmpi sge, %sub3A_127, %ge3A_129 : vector<16xi32>
      %lt3A_131 = arith.constant 5000 : i32
      %lt3A_132 = vector.broadcast %lt3A_131 : i32 to vector<16xi32>
      %lt3A_133 = arith.cmpi slt, %sub3A_127, %lt3A_132 : vector<16xi32>
      %and3A_134 = arith.andi %ge3A_130, %lt3A_133 : vector<16xi1>
      %broadcast_in_dim3A_135 = arith.constant 5000 : i32
      %broadcast_in_dim3A_136 = vector.broadcast %broadcast_in_dim3A_135 : i32 to vector<16xi32>
      %select_n3A_137 = arith.select %and3A_134, %sub3A_127, %broadcast_in_dim3A_136 : vector<16xi1>, vector<16xi32>
      %mul3A_138 = arith.constant 16 : i32
      %mul3A_139 = arith.muli %scan3A_118, %mul3A_138 : i32
      %swap3A_140 = arith.constant 0 : i32
      %swap3A_141 = arith.index_cast %swap3A_140 : i32 to index
      %swap3A_142 = arith.index_cast %mul3A_139 : i32 to index
      %swap3A_143 = tpu.vector_load %arg7[%swap3A_141, %swap3A_142] {strides = array<i32>} : memref<1x80xi32, #tpu.memory_space<vmem>>, vector<1x16xi32>,
      %swap3A_144 = vector.shape_cast %swap3A_143 : vector<1x16xi32> to vector<16xi32>
      %swap3A_145 = vector.shape_cast %select_n3A_137 : vector<16xi32> to vector<1x16xi32>
      tpu.vector_store %arg7[%swap3A_141, %swap3A_142], %swap3A_145 {strides = array<i32>} : memref<1x80xi32, #tpu.memory_space<vmem>>, vector<1x16xi32>,
      %scan3A_146 = arith.constant 0 : i32
      %scan3A_147 = arith.constant 4 : i32
      %mul3A_148 = arith.constant 16 : i32
      %mul3A_149 = arith.muli %scan3A_147, %mul3A_148 : i32
      %get3A_150 = arith.constant 0 : i32
      %get3A_151 = arith.index_cast %get3A_150 : i32 to index
      %get3A_152 = arith.index_cast %mul3A_149 : i32 to index
      %get3A_153 = tpu.vector_load %arg7[%get3A_151, %get3A_152] {strides = array<i32>} : memref<1x80xi32, #tpu.memory_space<vmem>>, vector<1x16xi32>,
      %get3A_154 = vector.shape_cast %get3A_153 : vector<1x16xi32> to vector<16xi32>
      %sub3A_155 = vector.broadcast %mul3A_14 : i32 to vector<16xi32>
      %sub3A_156 = arith.subi %get3A_154, %sub3A_155 : vector<16xi32>
      %ge3A_157 = arith.constant 0 : i32
      %ge3A_158 = vector.broadcast %ge3A_157 : i32 to vector<16xi32>
      %ge3A_159 = arith.cmpi sge, %sub3A_156, %ge3A_158 : vector<16xi32>
      %lt3A_160 = arith.constant 5000 : i32
      %lt3A_161 = vector.broadcast %lt3A_160 : i32 to vector<16xi32>
      %lt3A_162 = arith.cmpi slt, %sub3A_156, %lt3A_161 : vector<16xi32>
      %and3A_163 = arith.andi %ge3A_159, %lt3A_162 : vector<16xi1>
      %broadcast_in_dim3A_164 = arith.constant 5000 : i32
      %broadcast_in_dim3A_165 = vector.broadcast %broadcast_in_dim3A_164 : i32 to vector<16xi32>
      %select_n3A_166 = arith.select %and3A_163, %sub3A_156, %broadcast_in_dim3A_165 : vector<16xi1>, vector<16xi32>
      %mul3A_167 = arith.constant 16 : i32
      %mul3A_168 = arith.muli %scan3A_147, %mul3A_167 : i32
      %swap3A_169 = arith.constant 0 : i32
      %swap3A_170 = arith.index_cast %swap3A_169 : i32 to index
      %swap3A_171 = arith.index_cast %mul3A_168 : i32 to index
      %swap3A_172 = tpu.vector_load %arg7[%swap3A_170, %swap3A_171] {strides = array<i32>} : memref<1x80xi32, #tpu.memory_space<vmem>>, vector<1x16xi32>,
      %swap3A_173 = vector.shape_cast %swap3A_172 : vector<1x16xi32> to vector<16xi32>
      %swap3A_174 = vector.shape_cast %select_n3A_166 : vector<16xi32> to vector<1x16xi32>
      tpu.vector_store %arg7[%swap3A_170, %swap3A_171], %swap3A_174 {strides = array<i32>} : memref<1x80xi32, #tpu.memory_space<vmem>>, vector<1x16xi32>,
      %scan3A_175 = arith.constant 0 : i32
      %scan3A_176 = arith.constant 5 : i32
      %dma_start3A = arith.constant 0 : i32
      %dma_start3A_177 = arith.constant 0 : i32
      %dma_start3A_178 = tpu.memref_slice %arg2[%dma_start3A, %dma_start3A_177] : memref<10000x128xf32, #tpu.memory_space<hbm>> -> memref<10000x128xf32, #tpu.memory_space<hbm>>
      tpu.enqueue_indirect_dma source(%dma_start3A_178 : memref<10000x128xf32, #tpu.memory_space<hbm>>) target(%arg8 : memref<80x128xf32, #tpu.memory_space<vmem>>) offsets(%arg6 : memref<80xi32, #tpu.memory_space<vmem>>) semaphore(%arg11 : memref<!tpu.dma_semaphore, #tpu.memory_space<semaphore_mem>>)
      %dma_wait3A = arith.constant 0 : i32
      %dma_wait3A_179 = arith.constant 0 : i32
      %dma_wait3A_180 = tpu.memref_slice %arg2[%dma_wait3A, %dma_wait3A_179] : memref<10000x128xf32, #tpu.memory_space<hbm>> -> memref<10000x128xf32, #tpu.memory_space<hbm>>
      tpu.wait_indirect_dma semaphore(%arg11 : memref<!tpu.dma_semaphore, #tpu.memory_space<semaphore_mem>>) src(%dma_wait3A_180 : memref<10000x128xf32, #tpu.memory_space<hbm>>) dst(%arg8 : memref<80x128xf32, #tpu.memory_space<vmem>>)
      %run_scoped3A_181 = arith.constant 0 : i32
      "tpu.region"() ({
        %run_scoped3A_183 = tpu.sem_alloc : memref<!tpu.dma_semaphore, #tpu.memory_space<semaphore_mem>>
        %dma_start3A_184 = arith.constant 0 : i32
        %dma_start3A_185 = tpu.memref_slice %arg7[%run_scoped3A_181, %dma_start3A_184] : memref<1x80xi32, #tpu.memory_space<vmem>> -> memref<1x80xi32, #tpu.memory_space<vmem>>
        %dma_start3A_186 = tpu.memref_squeeze %dma_start3A_185 : memref<1x80xi32, #tpu.memory_space<vmem>> -> memref<80xi32, #tpu.memory_space<vmem>>
        %dma_start3A_187 = arith.constant 0 : i32
        %dma_start3A_188 = arith.constant 0 : i32
        %dma_start3A_189 = tpu.memref_slice %arg10[%dma_start3A_187, %dma_start3A_188] : memref<5008x128xf32, #tpu.memory_space<vmem_shared>> -> memref<5008x128xf32, #tpu.memory_space<vmem_shared>>
        tpu.enqueue_indirect_dma source(%arg8 : memref<80x128xf32, #tpu.memory_space<vmem>>) target(%dma_start3A_189 : memref<5008x128xf32, #tpu.memory_space<vmem_shared>>) offsets(%dma_start3A_186 : memref<80xi32, #tpu.memory_space<vmem>>) semaphore(%run_scoped3A_183 : memref<!tpu.dma_semaphore, #tpu.memory_space<semaphore_mem>>) {add = true}
        %dma_wait3A_190 = arith.constant 0 : i32
        %dma_wait3A_191 = tpu.memref_slice %arg7[%run_scoped3A_181, %dma_wait3A_190] : memref<1x80xi32, #tpu.memory_space<vmem>> -> memref<1x80xi32, #tpu.memory_space<vmem>>
        %dma_wait3A_192 = tpu.memref_squeeze %dma_wait3A_191 : memref<1x80xi32, #tpu.memory_space<vmem>> -> memref<80xi32, #tpu.memory_space<vmem>>
        %dma_wait3A_193 = arith.constant 0 : i32
        %dma_wait3A_194 = arith.constant 0 : i32
        %dma_wait3A_195 = tpu.memref_slice %arg10[%dma_wait3A_193, %dma_wait3A_194] : memref<5008x128xf32, #tpu.memory_space<vmem_shared>> -> memref<5008x128xf32, #tpu.memory_space<vmem_shared>>
        tpu.wait_indirect_dma semaphore(%run_scoped3A_183 : memref<!tpu.dma_semaphore, #tpu.memory_space<semaphore_mem>>) src(%arg8 : memref<80x128xf32, #tpu.memory_space<vmem>>) dst(%dma_wait3A_195 : memref<5008x128xf32, #tpu.memory_space<vmem_shared>>)
        tpu.yield
      }) : () -> ()
      %scan3A_182 = arith.constant 0 : i32
      scf.yield %scan3A_182 : i32
    }
    %scan3A_21 = arith.constant 250 : i32
    %barrier3A_22 = arith.constant 0 : index
    tpu.barrier barrier_id(%barrier3A_22)
    %lt3A_23 = arith.constant 15 : i32
    %lt3A_24 = arith.cmpi slt, %arg1, %lt3A_23 : i32
    %convert_element_type3A_25 = arith.extui %lt3A_24 : i1 to i32
    %cond3A_26 = arith.constant 0 : i32
    %cond3A_27 = arith.cmpi ne, %convert_element_type3A_25, %cond3A_26 : i32
    scf.if %cond3A_27 {
      %mul3A_33 = arith.constant 320 : i32
      %mul3A_34 = arith.muli %arg1, %mul3A_33 : i32
      %mul3A_35 = arith.constant 320 : i32
      %mul3A_36 = arith.muli %arg1, %mul3A_35 : i32
      "tpu.region"() ({
        %run_scoped3A = tpu.sem_alloc : memref<!tpu.dma_semaphore, #tpu.memory_space<semaphore_mem>>
        %dma_start3A = arith.constant 0 : i32
        %dma_start3A_37 = tpu.memref_slice %arg5[%arg0, %mul3A_36, %dma_start3A] : memref<2x5000x128xf32, #tpu.memory_space<hbm>> -> memref<1x320x128xf32, #tpu.memory_space<hbm>>
        %dma_start3A_38 = tpu.memref_squeeze %dma_start3A_37 : memref<1x320x128xf32, #tpu.memory_space<hbm>> -> memref<320x128xf32, #tpu.memory_space<hbm>>
        %dma_start3A_39 = arith.constant 0 : i32
        %dma_start3A_40 = tpu.memref_slice %arg10[%mul3A_34, %dma_start3A_39] : memref<5008x128xf32, #tpu.memory_space<vmem_shared>> -> memref<320x128xf32, #tpu.memory_space<vmem_shared>>
        tpu.enqueue_dma source(%dma_start3A_40 : memref<320x128xf32, #tpu.memory_space<vmem_shared>>) target(%dma_start3A_38 : memref<320x128xf32, #tpu.memory_space<hbm>>) target_semaphore(%run_scoped3A : memref<!tpu.dma_semaphore, #tpu.memory_space<semaphore_mem>>)
        %dma_wait3A = arith.constant 0 : i32
        %dma_wait3A_41 = tpu.memref_slice %arg5[%arg0, %mul3A_36, %dma_wait3A] : memref<2x5000x128xf32, #tpu.memory_space<hbm>> -> memref<1x320x128xf32, #tpu.memory_space<hbm>>
        %dma_wait3A_42 = tpu.memref_squeeze %dma_wait3A_41 : memref<1x320x128xf32, #tpu.memory_space<hbm>> -> memref<320x128xf32, #tpu.memory_space<hbm>>
        %dma_wait3A_43 = arith.constant 0 : i32
        %dma_wait3A_44 = tpu.memref_slice %arg10[%mul3A_34, %dma_wait3A_43] : memref<5008x128xf32, #tpu.memory_space<vmem_shared>> -> memref<320x128xf32, #tpu.memory_space<vmem_shared>>
        tpu.wait_dma2 semaphore(%run_scoped3A : memref<!tpu.dma_semaphore, #tpu.memory_space<semaphore_mem>>) src(%dma_wait3A_44 : memref<320x128xf32, #tpu.memory_space<vmem_shared>>) dst(%dma_wait3A_42 : memref<320x128xf32, #tpu.memory_space<hbm>>)
        tpu.yield
      }) : () -> ()
    } else {
    }
    %eq3A_28 = arith.constant 15 : i32
    %eq3A_29 = arith.cmpi eq, %arg1, %eq3A_28 : i32
    %convert_element_type3A_30 = arith.extui %eq3A_29 : i1 to i32
    %cond3A_31 = arith.constant 0 : i32
    %cond3A_32 = arith.cmpi ne, %convert_element_type3A_30, %cond3A_31 : i32
    scf.if %cond3A_32 {
      %mul3A_33 = arith.constant 320 : i32
      %mul3A_34 = arith.muli %arg1, %mul3A_33 : i32
      %mul3A_35 = arith.constant 320 : i32
      %mul3A_36 = arith.muli %arg1, %mul3A_35 : i32
      "tpu.region"() ({
        %run_scoped3A = tpu.sem_alloc : memref<!tpu.dma_semaphore, #tpu.memory_space<semaphore_mem>>
        %dma_start3A = arith.constant 0 : i32
        %dma_start3A_37 = tpu.memref_slice %arg5[%arg0, %mul3A_36, %dma_start3A] : memref<2x5000x128xf32, #tpu.memory_space<hbm>> -> memref<1x200x128xf32, #tpu.memory_space<hbm>>
        %dma_start3A_38 = tpu.memref_squeeze %dma_start3A_37 : memref<1x200x128xf32, #tpu.memory_space<hbm>> -> memref<200x128xf32, #tpu.memory_space<hbm>>
        %dma_start3A_39 = arith.constant 0 : i32
        %dma_start3A_40 = tpu.memref_slice %arg10[%mul3A_34, %dma_start3A_39] : memref<5008x128xf32, #tpu.memory_space<vmem_shared>> -> memref<200x128xf32, #tpu.memory_space<vmem_shared>>
        tpu.enqueue_dma source(%dma_start3A_40 : memref<200x128xf32, #tpu.memory_space<vmem_shared>>) target(%dma_start3A_38 : memref<200x128xf32, #tpu.memory_space<hbm>>) target_semaphore(%run_scoped3A : memref<!tpu.dma_semaphore, #tpu.memory_space<semaphore_mem>>)
        %dma_wait3A = arith.constant 0 : i32
        %dma_wait3A_41 = tpu.memref_slice %arg5[%arg0, %mul3A_36, %dma_wait3A] : memref<2x5000x128xf32, #tpu.memory_space<hbm>> -> memref<1x200x128xf32, #tpu.memory_space<hbm>>
        %dma_wait3A_42 = tpu.memref_squeeze %dma_wait3A_41 : memref<1x200x128xf32, #tpu.memory_space<hbm>> -> memref<200x128xf32, #tpu.memory_space<hbm>>
        %dma_wait3A_43 = arith.constant 0 : i32
        %dma_wait3A_44 = tpu.memref_slice %arg10[%mul3A_34, %dma_wait3A_43] : memref<5008x128xf32, #tpu.memory_space<vmem_shared>> -> memref<200x128xf32, #tpu.memory_space<vmem_shared>>
        tpu.wait_dma2 semaphore(%run_scoped3A : memref<!tpu.dma_semaphore, #tpu.memory_space<semaphore_mem>>) src(%dma_wait3A_44 : memref<200x128xf32, #tpu.memory_space<vmem_shared>>) dst(%dma_wait3A_42 : memref<200x128xf32, #tpu.memory_space<hbm>>)
        tpu.yield
      }) : () -> ()
    } else {
    }
    return
  }
}

module attributes {stable_mosaic.version = 14 : i64} {
  func.func @body(%arg0: memref<10000x128xf32, #tpu.memory_space<vmem>>, %arg1: memref<2x5000x128xf32, #tpu.memory_space<vmem>>, %arg2: memref<128x128xf32, #tpu.memory_space<vmem>>, %arg3: memref<128xf32, #tpu.memory_space<vmem>>, %arg4: memref<128xf32, #tpu.memory_space<vmem>>, %arg5: memref<128xf32, #tpu.memory_space<vmem>>, %arg6: memref<128x128xf32, #tpu.memory_space<vmem>>, %arg7: memref<128xf32, #tpu.memory_space<vmem>>, %arg8: memref<1x1xf32, #tpu.memory_space<vmem>>, %arg9: memref<10000x128xf32, #tpu.memory_space<vmem>>) attributes {dimension_semantics = [], scalar_prefetch = 0 : i64, scratch_operands = 0 : i64, tpu.core_type = #tpu.core_type<tc>} {
    %get3A = arith.constant 0 : index
    %get3A_0 = arith.constant 0 : index
    %get3A_1 = vector.load %arg0[%get3A, %get3A_0] : memref<10000x128xf32, #tpu.memory_space<vmem>>, vector<10000x128xf32>
    %get3A_2 = arith.constant 0 : index
    %get3A_3 = arith.constant 0 : index
    %get3A_4 = arith.constant 0 : index
    %get3A_5 = vector.load %arg1[%get3A_2, %get3A_3, %get3A_4] : memref<2x5000x128xf32, #tpu.memory_space<vmem>>, vector<1x5000x128xf32>
    %get3A_6 = vector.shape_cast %get3A_5 : vector<1x5000x128xf32> to vector<5000x128xf32>
    %get3A_7 = arith.constant 1 : index
    %get3A_8 = arith.constant 0 : index
    %get3A_9 = arith.constant 0 : index
    %get3A_10 = vector.load %arg1[%get3A_7, %get3A_8, %get3A_9] : memref<2x5000x128xf32, #tpu.memory_space<vmem>>, vector<1x5000x128xf32>
    %get3A_11 = vector.shape_cast %get3A_10 : vector<1x5000x128xf32> to vector<5000x128xf32>
    %concatenate3A = tpu.concatenate %get3A_6, %get3A_11 in 0 : vector<5000x128xf32>, vector<5000x128xf32> -> vector<10000x128xf32>
    %add3A = arith.addf %get3A_1, %concatenate3A : vector<10000x128xf32>
    %get3A_12 = arith.constant 0 : index
    %get3A_13 = arith.constant 0 : index
    %get3A_14 = vector.load %arg2[%get3A_12, %get3A_13] : memref<128x128xf32, #tpu.memory_space<vmem>>, vector<128x128xf32>
    %dot_general3A = arith.constant dense<0.000000e+00> : vector<10000x128xf32>
    %dot_general3A_15 = tpu.matmul %add3A, %get3A_14, %dot_general3A {dimension_numbers = #tpu.dot_dimension_numbers<[1], [0], [0], [1], [0, 0, 1, 1], [], []>, transpose_lhs_hint = false} : vector<10000x128xf32>, vector<128x128xf32>, vector<10000x128xf32> -> vector<10000x128xf32>
    %get3A_16 = arith.constant 0 : index
    %get3A_17 = vector.load %arg3[%get3A_16] : memref<128xf32, #tpu.memory_space<vmem>>, vector<128xf32>
    %broadcast_in_dim3A = vector.shape_cast %get3A_17 : vector<128xf32> to vector<1x128xf32>
    %add3A_18 = vector.broadcast %broadcast_in_dim3A : vector<1x128xf32> to vector<10000x128xf32>
    %add3A_19 = arith.addf %dot_general3A_15, %add3A_18 : vector<10000x128xf32>
    %reduce_sum3A = arith.constant dense<0.000000e+00> : vector<128xf32>
    %reduce_sum3A_20 = vector.multi_reduction <add>, %add3A_19, %reduce_sum3A [0] : vector<10000x128xf32> to vector<128xf32>
    %broadcast_in_dim3A_21 = vector.shape_cast %reduce_sum3A_20 : vector<128xf32> to vector<1x128xf32>
    %div3A = arith.constant 1.000000e+04 : f32
    %div3A_22 = vector.broadcast %div3A : f32 to vector<1x128xf32>
    %div3A_23 = arith.divf %broadcast_in_dim3A_21, %div3A_22 : vector<1x128xf32>
    %sub3A = vector.broadcast %div3A_23 : vector<1x128xf32> to vector<10000x128xf32>
    %sub3A_24 = arith.subf %add3A_19, %sub3A : vector<10000x128xf32>
    %integer_pow3A = arith.mulf %sub3A_24, %sub3A_24 : vector<10000x128xf32>
    %reduce_sum3A_25 = arith.constant dense<0.000000e+00> : vector<128xf32>
    %reduce_sum3A_26 = vector.multi_reduction <add>, %integer_pow3A, %reduce_sum3A_25 [0] : vector<10000x128xf32> to vector<128xf32>
    %broadcast_in_dim3A_27 = vector.shape_cast %reduce_sum3A_26 : vector<128xf32> to vector<1x128xf32>
    %div3A_28 = arith.constant 1.000000e+04 : f32
    %div3A_29 = vector.broadcast %div3A_28 : f32 to vector<1x128xf32>
    %div3A_30 = arith.divf %broadcast_in_dim3A_27, %div3A_29 : vector<1x128xf32>
    %sub3A_31 = vector.broadcast %div3A_23 : vector<1x128xf32> to vector<10000x128xf32>
    %sub3A_32 = arith.subf %add3A_19, %sub3A_31 : vector<10000x128xf32>
    %add3A_33 = arith.constant 9.99999974E-6 : f32
    %add3A_34 = vector.broadcast %add3A_33 : f32 to vector<1x128xf32>
    %add3A_35 = arith.addf %div3A_30, %add3A_34 : vector<1x128xf32>
    %rsqrt3A = math.rsqrt %add3A_35 : vector<1x128xf32>
    %mul3A = vector.broadcast %rsqrt3A : vector<1x128xf32> to vector<10000x128xf32>
    %mul3A_36 = arith.mulf %sub3A_32, %mul3A : vector<10000x128xf32>
    %get3A_37 = arith.constant 0 : index
    %get3A_38 = vector.load %arg4[%get3A_37] : memref<128xf32, #tpu.memory_space<vmem>>, vector<128xf32>
    %broadcast_in_dim3A_39 = vector.shape_cast %get3A_38 : vector<128xf32> to vector<1x128xf32>
    %mul3A_40 = vector.broadcast %broadcast_in_dim3A_39 : vector<1x128xf32> to vector<10000x128xf32>
    %mul3A_41 = arith.mulf %mul3A_36, %mul3A_40 : vector<10000x128xf32>
    %get3A_42 = arith.constant 0 : index
    %get3A_43 = vector.load %arg5[%get3A_42] : memref<128xf32, #tpu.memory_space<vmem>>, vector<128xf32>
    %broadcast_in_dim3A_44 = vector.shape_cast %get3A_43 : vector<128xf32> to vector<1x128xf32>
    %add3A_45 = vector.broadcast %broadcast_in_dim3A_44 : vector<1x128xf32> to vector<10000x128xf32>
    %add3A_46 = arith.addf %mul3A_41, %add3A_45 : vector<10000x128xf32>
    %max3A = arith.constant 0.000000e+00 : f32
    %max3A_47 = vector.broadcast %max3A : f32 to vector<10000x128xf32>
    %max3A_48 = arith.maximumf %add3A_46, %max3A_47 : vector<10000x128xf32>
    %get3A_49 = arith.constant 0 : index
    %get3A_50 = arith.constant 0 : index
    %get3A_51 = vector.load %arg6[%get3A_49, %get3A_50] : memref<128x128xf32, #tpu.memory_space<vmem>>, vector<128x128xf32>
    %dot_general3A_52 = arith.constant dense<0.000000e+00> : vector<10000x128xf32>
    %dot_general3A_53 = tpu.matmul %max3A_48, %get3A_51, %dot_general3A_52 {dimension_numbers = #tpu.dot_dimension_numbers<[1], [0], [0], [1], [0, 0, 1, 1], [], []>, transpose_lhs_hint = false} : vector<10000x128xf32>, vector<128x128xf32>, vector<10000x128xf32> -> vector<10000x128xf32>
    %get3A_54 = arith.constant 0 : index
    %get3A_55 = vector.load %arg7[%get3A_54] : memref<128xf32, #tpu.memory_space<vmem>>, vector<128xf32>
    %broadcast_in_dim3A_56 = vector.shape_cast %get3A_55 : vector<128xf32> to vector<1x128xf32>
    %add3A_57 = vector.broadcast %broadcast_in_dim3A_56 : vector<1x128xf32> to vector<10000x128xf32>
    %add3A_58 = arith.addf %dot_general3A_53, %add3A_57 : vector<10000x128xf32>
    %get3A_59 = arith.constant 0 : index
    %get3A_60 = arith.constant 0 : index
    %get3A_61 = vector.load %arg8[%get3A_59, %get3A_60] : memref<1x1xf32, #tpu.memory_space<vmem>>, vector<1x1xf32>
    %max3A_62 = arith.constant 0.000000e+00 : f32
    %max3A_63 = vector.broadcast %max3A_62 : f32 to vector<10000x128xf32>
    %max3A_64 = arith.maximumf %add3A_58, %max3A_63 : vector<10000x128xf32>
    %mul3A_65 = vector.broadcast %get3A_61 : vector<1x1xf32> to vector<10000x128xf32>
    %mul3A_66 = arith.mulf %mul3A_65, %max3A_64 : vector<10000x128xf32>
    %sub3A_67 = arith.constant 1.000000e+00 : f32
    %sub3A_68 = vector.broadcast %sub3A_67 : f32 to vector<1x1xf32>
    %sub3A_69 = arith.subf %sub3A_68, %get3A_61 : vector<1x1xf32>
    %mul3A_70 = vector.broadcast %sub3A_69 : vector<1x1xf32> to vector<10000x128xf32>
    %mul3A_71 = arith.mulf %mul3A_70, %add3A_58 : vector<10000x128xf32>
    %add3A_72 = arith.addf %mul3A_66, %mul3A_71 : vector<10000x128xf32>
    %swap3A = arith.constant 0 : index
    %swap3A_73 = arith.constant 0 : index
    %swap3A_74 = vector.load %arg9[%swap3A, %swap3A_73] : memref<10000x128xf32, #tpu.memory_space<vmem>>, vector<10000x128xf32>
    tpu.vector_store %arg9[%swap3A, %swap3A_73], %add3A_72 {strides = array<i32>} : memref<10000x128xf32, #tpu.memory_space<vmem>>, vector<10000x128xf32>,
    return
  }
}

module attributes {stable_mosaic.version = 14 : i64} {
  func.func @body(%arg0: memref<10000x128xf32, #tpu.memory_space<vmem>>, %arg1: memref<10000xi32, #tpu.memory_space<vmem>>, %arg2: memref<128x32xf32, #tpu.memory_space<vmem>>, %arg3: memref<32x32xf32, #tpu.memory_space<vmem>>, %arg4: memref<32xf32, #tpu.memory_space<vmem>>, %arg5: memref<32xf32, #tpu.memory_space<vmem>>, %arg6: memref<32xf32, #tpu.memory_space<vmem>>, %arg7: memref<32x2xf32, #tpu.memory_space<vmem>>, %arg8: memref<2xf32, #tpu.memory_space<vmem>>, %arg9: memref<64x2xf32, #tpu.memory_space<vmem>>) attributes {dimension_semantics = [], scalar_prefetch = 0 : i64, scratch_operands = 0 : i64, tpu.core_type = #tpu.core_type<tc>} {
    %get3A = arith.constant 0 : index
    %get3A_0 = arith.constant 0 : index
    %get3A_1 = vector.load %arg0[%get3A, %get3A_0] : memref<10000x128xf32, #tpu.memory_space<vmem>>, vector<10000x128xf32>
    %get3A_2 = arith.constant 0 : index
    %get3A_3 = arith.constant 0 : index
    %get3A_4 = vector.load %arg2[%get3A_2, %get3A_3] : memref<128x32xf32, #tpu.memory_space<vmem>>, vector<128x32xf32>
    %dot_general3A = arith.constant dense<0.000000e+00> : vector<10000x32xf32>
    %dot_general3A_5 = tpu.matmul %get3A_1, %get3A_4, %dot_general3A {dimension_numbers = #tpu.dot_dimension_numbers<[1], [0], [0], [1], [0, 0, 1, 1], [], []>, transpose_lhs_hint = false} : vector<10000x128xf32>, vector<128x32xf32>, vector<10000x32xf32> -> vector<10000x32xf32>
    %max3A = arith.constant 0.000000e+00 : f32
    %max3A_6 = vector.broadcast %max3A : f32 to vector<10000x32xf32>
    %max3A_7 = arith.maximumf %dot_general3A_5, %max3A_6 : vector<10000x32xf32>
    %get3A_8 = arith.constant 0 : index
    %get3A_9 = vector.load %arg1[%get3A_8] : memref<10000xi32, #tpu.memory_space<vmem>>, vector<10000xi32>
    %broadcast_in_dim3A = vector.shape_cast %get3A_9 : vector<10000xi32> to vector<1x10000xi32>
    %iota3A = tpu.iota {dimensions = array<i32: 0>} : vector<64x10000xi32>
    %eq3A = vector.broadcast %broadcast_in_dim3A : vector<1x10000xi32> to vector<64x10000xi32>
    %eq3A_10 = arith.cmpi eq, %eq3A, %iota3A : vector<64x10000xi32>
    %convert_element_type3A = arith.extui %eq3A_10 : vector<64x10000xi1> to vector<64x10000xi32>
    %convert_element_type3A_11 = arith.sitofp %convert_element_type3A : vector<64x10000xi32> to vector<64x10000xf32>
    %dot_general3A_12 = arith.constant dense<0.000000e+00> : vector<64x32xf32>
    %dot_general3A_13 = tpu.matmul %convert_element_type3A_11, %max3A_7, %dot_general3A_12 {dimension_numbers = #tpu.dot_dimension_numbers<[1], [0], [0], [1], [0, 0, 1, 1], [], []>, transpose_lhs_hint = false} : vector<64x10000xf32>, vector<10000x32xf32>, vector<64x32xf32> -> vector<64x32xf32>
    %get3A_14 = arith.constant 0 : index
    %get3A_15 = arith.constant 0 : index
    %get3A_16 = vector.load %arg3[%get3A_14, %get3A_15] : memref<32x32xf32, #tpu.memory_space<vmem>>, vector<32x32xf32>
    %dot_general3A_17 = arith.constant dense<0.000000e+00> : vector<64x32xf32>
    %dot_general3A_18 = tpu.matmul %dot_general3A_13, %get3A_16, %dot_general3A_17 {dimension_numbers = #tpu.dot_dimension_numbers<[1], [0], [0], [1], [0, 0, 1, 1], [], []>, transpose_lhs_hint = false} : vector<64x32xf32>, vector<32x32xf32>, vector<64x32xf32> -> vector<64x32xf32>
    %get3A_19 = arith.constant 0 : index
    %get3A_20 = vector.load %arg4[%get3A_19] : memref<32xf32, #tpu.memory_space<vmem>>, vector<32xf32>
    %broadcast_in_dim3A_21 = vector.shape_cast %get3A_20 : vector<32xf32> to vector<1x32xf32>
    %add3A = vector.broadcast %broadcast_in_dim3A_21 : vector<1x32xf32> to vector<64x32xf32>
    %add3A_22 = arith.addf %dot_general3A_18, %add3A : vector<64x32xf32>
    %reduce_sum3A = arith.constant dense<0.000000e+00> : vector<32xf32>
    %reduce_sum3A_23 = vector.multi_reduction <add>, %add3A_22, %reduce_sum3A [0] : vector<64x32xf32> to vector<32xf32>
    %broadcast_in_dim3A_24 = vector.shape_cast %reduce_sum3A_23 : vector<32xf32> to vector<1x32xf32>
    %div3A = arith.constant 6.400000e+01 : f32
    %div3A_25 = vector.broadcast %div3A : f32 to vector<1x32xf32>
    %div3A_26 = arith.divf %broadcast_in_dim3A_24, %div3A_25 : vector<1x32xf32>
    %sub3A = vector.broadcast %div3A_26 : vector<1x32xf32> to vector<64x32xf32>
    %sub3A_27 = arith.subf %add3A_22, %sub3A : vector<64x32xf32>
    %integer_pow3A = arith.mulf %sub3A_27, %sub3A_27 : vector<64x32xf32>
    %reduce_sum3A_28 = arith.constant dense<0.000000e+00> : vector<32xf32>
    %reduce_sum3A_29 = vector.multi_reduction <add>, %integer_pow3A, %reduce_sum3A_28 [0] : vector<64x32xf32> to vector<32xf32>
    %broadcast_in_dim3A_30 = vector.shape_cast %reduce_sum3A_29 : vector<32xf32> to vector<1x32xf32>
    %div3A_31 = arith.constant 6.400000e+01 : f32
    %div3A_32 = vector.broadcast %div3A_31 : f32 to vector<1x32xf32>
    %div3A_33 = arith.divf %broadcast_in_dim3A_30, %div3A_32 : vector<1x32xf32>
    %sub3A_34 = vector.broadcast %div3A_26 : vector<1x32xf32> to vector<64x32xf32>
    %sub3A_35 = arith.subf %add3A_22, %sub3A_34 : vector<64x32xf32>
    %add3A_36 = arith.constant 9.99999974E-6 : f32
    %add3A_37 = vector.broadcast %add3A_36 : f32 to vector<1x32xf32>
    %add3A_38 = arith.addf %div3A_33, %add3A_37 : vector<1x32xf32>
    %rsqrt3A = math.rsqrt %add3A_38 : vector<1x32xf32>
    %mul3A = vector.broadcast %rsqrt3A : vector<1x32xf32> to vector<64x32xf32>
    %mul3A_39 = arith.mulf %sub3A_35, %mul3A : vector<64x32xf32>
    %get3A_40 = arith.constant 0 : index
    %get3A_41 = vector.load %arg5[%get3A_40] : memref<32xf32, #tpu.memory_space<vmem>>, vector<32xf32>
    %broadcast_in_dim3A_42 = vector.shape_cast %get3A_41 : vector<32xf32> to vector<1x32xf32>
    %mul3A_43 = vector.broadcast %broadcast_in_dim3A_42 : vector<1x32xf32> to vector<64x32xf32>
    %mul3A_44 = arith.mulf %mul3A_39, %mul3A_43 : vector<64x32xf32>
    %get3A_45 = arith.constant 0 : index
    %get3A_46 = vector.load %arg6[%get3A_45] : memref<32xf32, #tpu.memory_space<vmem>>, vector<32xf32>
    %broadcast_in_dim3A_47 = vector.shape_cast %get3A_46 : vector<32xf32> to vector<1x32xf32>
    %add3A_48 = vector.broadcast %broadcast_in_dim3A_47 : vector<1x32xf32> to vector<64x32xf32>
    %add3A_49 = arith.addf %mul3A_44, %add3A_48 : vector<64x32xf32>
    %gt3A = arith.constant 0.000000e+00 : f32
    %gt3A_50 = vector.broadcast %gt3A : f32 to vector<64x32xf32>
    %gt3A_51 = arith.cmpf ogt, %add3A_49, %gt3A_50 : vector<64x32xf32>
    %mul3A_52 = arith.constant 0.00999999977 : f32
    %mul3A_53 = vector.broadcast %mul3A_52 : f32 to vector<64x32xf32>
    %mul3A_54 = arith.mulf %mul3A_53, %add3A_49 : vector<64x32xf32>
    %select_n3A = arith.select %gt3A_51, %add3A_49, %mul3A_54 : vector<64x32xi1>, vector<64x32xf32>
    %get3A_55 = arith.constant 0 : index
    %get3A_56 = arith.constant 0 : index
    %get3A_57 = vector.load %arg7[%get3A_55, %get3A_56] : memref<32x2xf32, #tpu.memory_space<vmem>>, vector<32x2xf32>
    %dot_general3A_58 = arith.constant dense<0.000000e+00> : vector<64x2xf32>
    %dot_general3A_59 = tpu.matmul %select_n3A, %get3A_57, %dot_general3A_58 {dimension_numbers = #tpu.dot_dimension_numbers<[1], [0], [0], [1], [0, 0, 1, 1], [], []>, transpose_lhs_hint = false} : vector<64x32xf32>, vector<32x2xf32>, vector<64x2xf32> -> vector<64x2xf32>
    %get3A_60 = arith.constant 0 : index
    %get3A_61 = vector.load %arg8[%get3A_60] : memref<2xf32, #tpu.memory_space<vmem>>, vector<2xf32>
    %broadcast_in_dim3A_62 = vector.shape_cast %get3A_61 : vector<2xf32> to vector<1x2xf32>
    %add3A_63 = vector.broadcast %broadcast_in_dim3A_62 : vector<1x2xf32> to vector<64x2xf32>
    %add3A_64 = arith.addf %dot_general3A_59, %add3A_63 : vector<64x2xf32>
    %reduce_max3A = arith.constant dense<0xFF800000> : vector<64xf32>
    %reduce_max3A_65 = vector.multi_reduction <maximumf>, %add3A_64, %reduce_max3A [1] : vector<64x2xf32> to vector<64xf32>
    %broadcast_in_dim3A_66 = vector.shape_cast %reduce_max3A_65 : vector<64xf32> to vector<64x1xf32>
    %sub3A_67 = vector.broadcast %broadcast_in_dim3A_66 : vector<64x1xf32> to vector<64x2xf32>
    %sub3A_68 = arith.subf %add3A_64, %sub3A_67 : vector<64x2xf32>
    %exp3A = math.exp %sub3A_68 : vector<64x2xf32>
    %reduce_sum3A_69 = arith.constant dense<0.000000e+00> : vector<64xf32>
    %reduce_sum3A_70 = vector.multi_reduction <add>, %exp3A, %reduce_sum3A_69 [1] : vector<64x2xf32> to vector<64xf32>
    %broadcast_in_dim3A_71 = vector.shape_cast %reduce_sum3A_70 : vector<64xf32> to vector<64x1xf32>
    %log3A = math.log %broadcast_in_dim3A_71 : vector<64x1xf32>
    %sub3A_72 = vector.broadcast %log3A : vector<64x1xf32> to vector<64x2xf32>
    %sub3A_73 = arith.subf %sub3A_68, %sub3A_72 : vector<64x2xf32>
    %swap3A = arith.constant 0 : index
    %swap3A_74 = arith.constant 0 : index
    %swap3A_75 = vector.load %arg9[%swap3A, %swap3A_74] : memref<64x2xf32, #tpu.memory_space<vmem>>, vector<64x2xf32>
    tpu.vector_store %arg9[%swap3A, %swap3A_74], %sub3A_73 {strides = array<i32>} : memref<64x2xf32, #tpu.memory_space<vmem>>, vector<64x2xf32>,
    return
  }
}

</mosaic_0001>

<sc_bundles>
// kernel: closed_call.9.cloned.1.call-start
scs
__scs_entry_jumppad:
0x0: {  	(pc) =	sbr.rel $0x88, $3  }
0x1: {  	(tag) =	ssettag $0x0;
	lr =	simm.s32 $0x1  }
0x2: {  	[smem:$0x3F85] =	sst lr;
	_ =	strace $0xD0000000  }
0x3: {  	_ = 	snop  }
0x4: {  	_ = 	snop  }
0x5: {  	_ = 	snop  }
0x6: {  	_ = 	snop  }
0x7: {  	_ = 	snop  }
__scs_overlays_trampoline_lowered:
0x8: {  	[smem:$0x3F94] =	sst s0  }
0x9: {  	[smem:$0x3F95] =	sst s1  }
0xa: {  	[smem:$0x3F96] =	sst s2  }
0xb: {  	[smem:$0x3F97] =	sst s3  }
0xc: {  	[smem:$0x3F98] =	sst s4  }
0xd: {  	[smem:$0x3F99] =	sst s5  }
0xe: {  	[smem:$0x3F9A] =	sst s6  }
0xf: {  	[smem:$0x3F9B] =	sst s7  }
0x10: {  	[smem:$0x3F9C] =	sst s8  }
0x11: {  	[smem:$0x3F9D] =	sst s9;
	s0 =	simm.s32 @!p0 $0x0  }
0x12: {  	s1 =	sld [smem:$0x3F83];
	s0 =	simm.s32 @p0 $0x1  }
0x13: {  	[smem:$0x3F9E] =	sst s0;
	s0 =	simm.s32 @!p1 $0x0  }
0x14: {  	s2 =	sld [smem:$0x3F82];
	s0 =	simm.s32 @p1 $0x1  }
0x15: {  	[smem:$0x3F9F] =	sst s0;
	s0 =	simm.s32 @!p2 $0x0  }
0x16: {  	s3 =	sld [smem:$0x3FDB];
	s0 =	simm.s32 @p2 $0x1  }
0x17: {  	s4 =	simm.s32 $0x1BF5;
	[smem:$0x3FA1] =	sst s0  }
0x18: {  	s0 =	sld [smem:$0x3F84];
	_ =	swait.ge [sflag:s4], $0x0  }
0x19: {  	s7 =	sld [smem:$0x3F85]  }
0x1a: {  	s8 =	sadd.s32 $0xFFFFE003, lr  }
0x1b: {  	s9 =	sadd.s32 $0xFFFFFEF7, lr;
	s5 =	simm.s32 $0xFFFFFFFF;
	p2 =	slt.u32 s8, $0xFFFFF086  }
0x1c: {  	p1 =	slt.u32 s9, $0xF7A;
	s5 =	simm.s32 @!p2 $0x0  }
0x1d: {  	s5 =	simm.s32 @p1 $0x1;
	p0 =	seq.s32 s7, s2  }
0x1e: {  	s7 =	smul.u32 @!p0 $0xF7A, s2;
	p2 =	seq.s32 @!p0 s5, $0x0  }
0x1f: {  	s9 =	smul.u32 $0xF7A, s1;
	s8 =	simm.s32 @!p0 $0x1BF5;
	p2 =	por !p2, p0  }
0x20: {  	[sflag:s8] =	ssyncset.s32 @!p0 $0xFFFFF086;
	s6 =	sadd.s32 @!p0 s3, s7;
	s7 =	simm.s32 @!p0 $0x108  }
0x21: {  	s3 =	sadd.s32 s3, s9;
	s6 =	sadd.s32 @!p0 $0x88, s6;
	s7 =	simm.s32 @p2 $0x1082  }
0x22: {  	[simem:s7], [sflag:s8] =	dma.local @!p0 [hbm:s6], $0xF7A  }
0x23: {  	s9 =	sor.u32 $0xD0000000, s2;
	s6 =	simm.s32 $0x108;
	_ =	swait.ge @!p0 [sflag:s8], $0x0  }
0x24: {  	s3 =	sadd.s32 $0x88, s3;
	s6 =	simm.s32 @!p1 $0x1082;
	[sflag:s4] =	ssyncset.s32 $0xFFFFF086  }
0x25: {  	[simem:s6], [sflag:s4] =	dma.local [hbm:s3], $0xF7A  }
0x26: {  	[smem:$0x3F85] =	sst s1;
	(tag) =	ssettag s2;
	_ =	strace s9  }
0x27: {  	s1 =	sld [smem:$0x3F95]  }
0x28: {  	s2 =	sld [smem:$0x3F96]  }
0x29: {  	s4 =	sld [smem:$0x3F98]  }
0x2a: {  	p0 =	seq.s32 s5, $0x0;
	s5 =	sld [smem:$0x3F99]  }
0x2b: {  	s6 =	sld [smem:$0x3F9A]  }
0x2c: {  	s7 =	sld [smem:$0x3F9B]  }
0x2d: {  	s3 =	simm.s32 $0x108;
	s8 =	sld [smem:$0x3F9C]  }
0x2e: {  	s3 =	simm.s32 @!p0 $0x1082;
	s9 =	sld [smem:$0x3F9D]  }
0x2f: {  	lr =	sadd.s32 s0, s3;
	s0 =	sld [smem:$0x3F94]  }
0x30: {  	s3 =	sld [smem:$0x3F97]  }
0x31: {  	[smem:$0x3FA0] =	sst s10  }
0x32: {  	s10 =	sld [smem:$0x3F9E];
	_ =	sdelay $0x3  }
0x33: {  	p0 =	seq.s32 s10, $0x1;
	s10 =	sld [smem:$0x3FA0];
	_ =	sdelay $0x3  }
0x34: {  	[smem:$0x3FA0] =	sst s10  }
0x35: {  	s10 =	sld [smem:$0x3F9F];
	_ =	sdelay $0x3  }
0x36: {  	p1 =	seq.s32 s10, $0x1;
	s10 =	sld [smem:$0x3FA0];
	_ =	sdelay $0x3  }
0x37: {  	[smem:$0x3FA0] =	sst s10  }
0x38: {  	s10 =	sld [smem:$0x3FA1]  }
0x39: {  	_ = 	snop;
	(pc) =	sbr.ind lr, $3  }
0x3a: {  	_ = 	snop  }
0x3b: {  	_ = 	snop  }
0x3c: {  	p2 =	seq.s32 s10, $0x1;
	s10 =	sld [smem:$0x3FA0]  }
0x3d: {  	_ =	shalt  }
0x3e: {  	_ =	shalt  }
0x3f: {  	_ =	shalt  }
0x40: {  	_ =	shalt  }
0x41: {  	_ =	shalt  }
0x42: {  	_ =	shalt  }
0x43: {  	_ =	shalt  }
0x44: {  	_ =	shalt  }
0x45: {  	_ =	shalt  }
0x46: {  	_ =	shalt  }
0x47: {  	_ =	shalt  }
0x48: {  	_ =	shalt  }
0x49: {  	_ =	shalt  }
0x4a: {  	_ =	shalt  }
0x4b: {  	_ =	shalt  }
0x4c: {  	_ =	shalt  }
0x4d: {  	_ =	shalt  }
0x4e: {  	_ =	shalt  }
0x4f: {  	_ =	shalt  }
0x50: {  	_ =	shalt  }
0x51: {  	_ =	shalt  }
0x52: {  	_ =	shalt  }
0x53: {  	_ =	shalt  }
0x54: {  	_ =	shalt  }
0x55: {  	_ =	shalt  }
0x56: {  	_ =	shalt  }
0x57: {  	_ =	shalt  }
0x58: {  	_ =	shalt  }
0x59: {  	_ =	shalt  }
0x5a: {  	_ =	shalt  }
0x5b: {  	_ =	shalt  }
0x5c: {  	_ =	shalt  }
0x5d: {  	_ =	shalt  }
0x5e: {  	_ =	shalt  }
0x5f: {  	_ =	shalt  }
0x60: {  	_ =	shalt  }
0x61: {  	_ =	shalt  }
0x62: {  	_ =	shalt  }
0x63: {  	_ =	shalt  }
0x64: {  	_ =	shalt  }
0x65: {  	_ =	shalt  }
0x66: {  	_ =	shalt  }
0x67: {  	_ =	shalt  }
0x68: {  	_ =	shalt  }
0x69: {  	_ =	shalt  }
0x6a: {  	_ =	shalt  }
0x6b: {  	_ =	shalt  }
0x6c: {  	_ =	shalt  }
0x6d: {  	_ =	shalt  }
0x6e: {  	_ =	shalt  }
0x6f: {  	_ =	shalt  }
0x70: {  	_ =	shalt  }
0x71: {  	_ =	shalt  }
0x72: {  	_ =	shalt  }
0x73: {  	_ =	shalt  }
0x74: {  	_ =	shalt  }
0x75: {  	_ =	shalt  }
0x76: {  	_ =	shalt  }
0x77: {  	_ =	shalt  }
0x78: {  	_ =	shalt  }
0x79: {  	_ =	shalt  }
0x7a: {  	_ =	shalt  }
0x7b: {  	_ =	shalt  }
0x7c: {  	_ =	shalt  }
0x7d: {  	_ =	shalt  }
0x7e: {  	_ =	shalt  }
0x7f: {  	_ =	shalt  }
0x80: {  	_ =	shalt  }
0x81: {  	_ =	shalt  }
0x82: {  	_ =	shalt  }
0x83: {  	_ =	shalt  }
0x84: {  	_ =	shalt  }
0x85: {  	_ =	shalt  }
0x86: {  	_ =	shalt  }
0x87: {  	_ =	shalt  }
.Lfunc_end0:
.L_simem_size_0:
called_computation_lowered:
.L_overlay_start_0:
0x88: {  	s2 =	sld [smem:$0x3FD9]  }
0x89: {  	s3 =	sld [smem:$0x3FFE];
	_ =	sdelay $0x1  }
0x8a: {  	s1 =	srdreg.scid  }
0x8b: {  	s0 =	sand.u32 $0x1, s1  }
0x8c: {  	s16 =	sshll.u32 s0, $0xA;
	s2 =	sadd.s32 s3, s2  }
0x8d: {  	s2 =	sadd.s32 s2, s16  }
0x8e: {  	[smem:$0x3FAC] =	sst s2  }
0x8f: {  	_ = 	snop  }
0x90: {  	(tm) =	ssettm $0x1  }
0x91: {  	s17 =	sld [smem:$0x3FFB];
	_ =	sdelay $0x3  }
0x92: {  	_ =	strace s17  }
0x93: {  	s2 =	sld [smem:$0x3FFC];
	_ =	sdelay $0x3  }
0x94: {  	_ =	strace s2  }
0x95: {  	s2 =	sld [smem:$0x3FFD];
	_ =	sdelay $0x3  }
0x96: {  	_ =	strace s2  }
0x97: {  	_ =	strace $0x8FFFFFFF  }
0x98: {  	s18 =	sld [smem:$0x3FDB];
	_ =	sdelay $0x1  }
0x99: {  	s19 =	simm.s32 $_scs_section_size  }
0x9a: {  	s4 =	simm.s32 $_size__tile_overlayer_lowered;
	s5 =	simm.s32 $_tile_overlayer_lowered  }
0x9b: {  	s22 =	simm.s32 $0x1BFF;
	s21 =	sshll.u32 s5, $0x1;
	s2 =	sadd.s32 s19, s18  }
0x9c: {  	s6 =	simm.s32 $0x0;
	s20 =	sshll.u32 s4, $0x1;
	s4 =	sadd.s32 s21, s2  }
0x9d: {  	[timem:s6], [sflag:s22] =	dma.local [hbm:s4], s20  }
0x9e: {  	_ =	swait.ge [sflag:s22], s20  }
0x9f: {  	s3 =	ssub.s32 $0x0, s20;
	[sflag:s22] =	ssyncset.done $0x0  }
0xa0: {  	[sflag:s22] =	ssyncadd.s32 s3;
	_ =	sdelay $0x1  }
0xa1: {  	s23 =	simm.s32 $0x1B8B  }
0xa2: {  	_ =	swait.ge [sflag:s23], $0x1  }
0xa3: {  	[sflag:s23] =	ssyncset.done $0x0  }
0xa4: {  	s25 =	simm.s32 $0x1B8E;
	s24 =	sld [smem:$0x3FFE];
	[sflag:s23] =	ssyncadd.s32 $0xFFFFFFFF  }
0xa5: {  	s26 =	simm.s32 $execute0_lowered;
	[smem:$0x3FD2] =	sst s25  }
0xa6: {  	s4 =	sshll.u32 s26, $0x1;
	_ =	strace $0x80000046;
	[dreg:$0x1] =	wrdreg $0xFFFFFFFF  }
0xa7: {  	s28 =	simm.s32 $_size_execute0_lowered;
	s2 =	sadd.s32 s2, s4;
	[dreg:$0x0] =	wrdreg $0x0  }
0xa8: {  	s4 =	sshll.u32 s28, $0x1;
	[dreg:$0x2] =	wrdreg s2  }
0xa9: {  	[dreg:$0x3] =	wrdreg s4  }
0xaa: {  	[dreg:$0x4] =	wrdreg $0xC0  }
0xab: {  	_ =	task [dreg:s6], $0x5FFFF  }
0xac: {  	[dreg:$0x1] =	wrdreg $0xFFFFFFFF  }
0xad: {  	[dreg:$0x0] =	wrdreg $0x60  }
0xae: {  	[dreg:$0x2] =	wrdreg s24  }
0xaf: {  	[dreg:$0x3] =	wrdreg $0xC9000  }
0xb0: {  	[dreg:$0x4] =	wrdreg $0x9  }
0xb1: {  	_ =	task.clear_ibuf [dreg:s6], $0x5FFFF;
	_ =	strace $0x90000046  }
0xb2: {  	s29 =	simm.s32 $0x9;
	_ =	strace $0x80000048  }
0xb3: {  	_ =	swait.ge [sflag:s29], $0x1  }
0xb4: {  	[sflag:s29] =	ssyncadd.s32 $0xFFFFFFFF  }
0xb5: {  	_ =	strace $0x90000048  }
0xb6: {  	_ =	sfence  }
0xb7: {  	s30 =	sld [smem:$0x0];
	_ =	sdelay $0x2  }
0xb8: {  	s31 =	sshll.u32 s1, $0xD;
	s1 =	sshrl.u32 s1, $0x2  }
0xb9: {  	s3 =	sand.u32 $0x4000, s31;
	s1 =	sadd.s32 s1, s30  }
0xba: {  	s0 =	sor.u32 s3, s0;
	s1 =	sshll.u32 s1, $0x11  }
0xbb: {  	s0 =	sor.u32 s1, s0  }
0xbc: {  	s0 =	sadd.s32 $0x8F2B, s0  }
0xbd: {  	[sflag:s0] =	ssyncadd.remote.s32 $0x1  }
0xbe: {  	_ =	sfence.sel $0xFFFF  }
0xbf: {  	[dreg:$0x0] =	wrdreg $0xFFFFFFFF;
	(pc) =	sbr.abs _section_cstart, $3  }
0xc0: {  	[dreg:$0x1] =	wrdreg $0xFFFFFFFF  }
0xc1: {  	_ =	task.clear_ibuf [dreg:s6], $0x2FFFF;
	_ =	strace $0x9FFFFFFF  }
0xc2: {  	(tm) =	ssettm $0x7FFFFFFF  }
0xc3: {  	_ =	shalt  }
tec
execute0_lowered:
.L_overlay_start_1:
0x0: {  	(tag) =	ssettag $0x1  }
0x1: {  	s5 =	rddreg [dreg:$0x0]  }
0x2: {  	s2 =	rddreg [dreg:$0x1]  }
0x3: {  	s0 =	rddreg [dreg:$0x2]  }
0x4: {  	s3 =	simm.s32 $0x0;
	s1 =	stileid.u32;
	s7 =	srdreg.scid  }
0x5: {  	s14 =	simm.s32 $0x50;
	s16 =	simm.s32 $0x1;
	s6 =	smul.u32 $0x9C4, s1  }
0x6: {  	s17 =	simm.s32 $0x0;
	[smem:$0x7FF] =	sst s3;
	s8 =	smul.u32 $0x28000, s1  }
0x7: {  	s4 =	sadd.s32 $0x18A00, s5;
	s7 =	sand.u32 $0x1, s7;
	s12 =	smul.u32 $0xA000, s1  }
0x8: {  	s13 =	sadd.s32 $0x3FC00, s5;
	p0 =	seq.s32 s1, $0xF;
	s9 =	smul.u32 $0x9C400, s7  }
0x9: {  	_ =	strace $0x80000047;
	s28 =	ssub.s32 $0x2, s7;
	s15 =	smul.u32 $0x1388, s7  }
0xa: {  	s11 =	sadd.s32 s6, s5;
	s10 =	sshrl.u32 s28, $0x1;
	s8 =	sshrl.u32 s8, $0x2  }
0xb: {  	s6 =	sadd.s32 $0x96000, s2;
	s10 =	ssub.s32 s28, s10;
	s5 =	sadd.s32 s8, s2  }
0xc: {  	s29 =	sadd.s32 s12, s9;
	s9 =	sshrl.u32 s9, $0x3;
	s12 =	simm.s32 $0x2  }
0xd: {  	v0 =	vmov s15;
	s15 =	simm.s32 $0x100;
	s30 =	sshrl.u32 s29, $0x3;
	s31 =	sadd.s32 s13, s9  }
0xe: {  	s9 =	smax.u32 s10, $0x1;
	s10 =	sadd.s32 $0x4E00, s11;
	s11 =	sadd.s32 $0xEC00, s11  }
0xf: {  	v1 =	vimm.f32 $0.0e+00;
	s7 =	sadd.s32 s13, s30;
	s8 =	sadd.s32 $0x12C00, s31;
	s13 =	simm.s32 $0x80  }
.LBB2_1:
0x10: {  	s18 =	simm.s32 $0x2940  }
0x11: {  	[tilespmem:s18+$0xFFFFFFC0] =	vst v1  }
0x12: {  	[tilespmem:s18+$0x30] =	vst v1  }
0x13: {  	[tilespmem:s18+$0x20] =	vst v1  }
0x14: {  	[tilespmem:s18+$0x10] =	vst v1  }
0x15: {  	[tilespmem:s18+$0x0] =	vst v1  }
0x16: {  	[tilespmem:s18+$0xFFFFFFF0] =	vst v1  }
0x17: {  	s19 =	simm.s32 $0x0;
	[tilespmem:s18+$0xFFFFFFE0] =	vst v1  }
.LBB2_2:
0x18: {  	s19 =	sadd.s32 $0x8, s19;
	[tilespmem:s18+$0xFFFFFFD0] =	vst v1;
	s18 =	sadd.s32 $0x80, s18  }
0x19: {  	[tilespmem:s18+$0xFFFFFFC0] =	vst v1;
	p1 =	slt.u32 s19, $0x9F8  }
0x1a: {  	[tilespmem:s18+$0x30] =	vst v1  }
.Ltmp0:
0x1b: {  	[tilespmem:s18+$0x20] =	vst v1;
	(pc) =	sbr.rel @p1 .LBB2_2-.Ltmp0, $4  }
0x1c: {  	[tilespmem:s18+$0x10] =	vst v1  }
0x1d: {  	[tilespmem:s18+$0x0] =	vst v1  }
0x1e: {  	[tilespmem:s18+$0xFFFFFFF0] =	vst v1  }
0x1f: {  	[tilespmem:s18+$0xFFFFFFE0] =	vst v1  }
0x20: {  	[tilespmem:s18+$0xFFFFFFD0] =	vst v1;
	s18 =	simm.s32 @p0 $0x2900  }
0x21: {  	[spmem:s6] =	stream.linear.scatter @p0 [tilespmem:s18], [sflag:$0x2], $0x6800, $0x38;
	[tilespmem:$0x16580] =	vst v63  }
0x22: {  	s18 =	simm.s32 @p0 $0x2  }
0x23: {  	_ =	swait.ge @p0 [sflag:s18], $0x6800  }
0x24: {  	[sflag:s18] =	ssyncset.done @p0 $0x0  }
0x25: {  	[sflag:s18] =	ssyncadd.s32 @p0 $0xFFFF9800;
	s18 =	simm.s32 @!p0 $0x2900  }
0x26: {  	[spmem:s5] =	stream.linear.scatter @!p0 [tilespmem:s18], [sflag:$0x2], $0xA000, $0x38;
	[tilespmem:$0x16580] =	vst v63  }
0x27: {  	s18 =	simm.s32 @!p0 $0x2  }
0x28: {  	_ =	swait.ge @!p0 [sflag:s18], $0xA000  }
0x29: {  	[sflag:s18] =	ssyncset.done @!p0 $0x0  }
0x2a: {  	[sflag:s18] =	ssyncadd.s32 @!p0 $0xFFFF6000  }
0x2b: {  	s30 =	sadd.s32 $0x0, s11;
	[bflag:$0x0] =	sbarrier.arrive $0xFFFF  }
0x2c: {  	[tilespmem:s3], [sflag:$0x2] =	stream.linear.gather [hbm4b:s30+s3], $0x50, $0x38;
	[tilespmem:$0x16580] =	vst v63  }
0x2d: {  	_ =	swait.ge [sflag:s12], $0x50  }
0x2e: {  	[sflag:s12] =	ssyncset.done $0x0  }
0x2f: {  	s31 =	sadd.s32 $0x0, s10;
	[sflag:s12] =	ssyncadd.s32 $0xFFFFFFB0  }
0x30: {  	[tilespmem:s13], [sflag:$0x2] =	stream.linear.gather [hbm4b:s31+s3], $0x50, $0x38;
	[tilespmem:$0x16580] =	vst v63  }
0x31: {  	_ =	swait.ge [sflag:s12], $0x50  }
0x32: {  	[sflag:s12] =	ssyncset.done $0x0  }
0x33: {  	[sflag:s12] =	ssyncadd.s32 $0xFFFFFFB0  }
0x34: {  	v2 =	vld [tilespmem:$0xC0]  }
0x35: {  	v3 =	vld [tilespmem:$0xB0]  }
0x36: {  	v4 =	vld [tilespmem:$0xA0]  }
0x37: {  	v5 =	vld [tilespmem:$0x90]  }
0x38: {  	v6 =	vld [tilespmem:$0x80]  }
0x39: {  	v2 =	vsub.s32 v2, v0  }
0x3a: {  	v3 =	vsub.s32 v3, v0;
	v2 =	vmin.u32 v2, $0x1388  }
0x3b: {  	v4 =	vsub.s32 v4, v0;
	v3 =	vmin.u32 v3, $0x1388;
	[tilespmem:$0xC0] =	vst v2  }
0x3c: {  	v4 =	vmin.u32 v4, $0x1388;
	v2 =	vsub.s32 v5, v0;
	[tilespmem:$0xB0] =	vst v3  }
0x3d: {  	v3 =	vsub.s32 v6, v0;
	[tilespmem:$0xA0] =	vst v4;
	v2 =	vmin.u32 v2, $0x1388  }
0x3e: {  	v3 =	vmin.u32 v3, $0x1388;
	[tilespmem:$0x90] =	vst v2  }
0x3f: {  	[tilespmem:$0x80] =	vst v3  }
0x40: {  	[tilespmem:s15], [sflag:$0x1] =	stream.indirect.gather [hbm4b:s4+s14], $0x80, s3, s14, $0xb8;
	[tilespmem:$0x16580] =	vst v63  }
0x41: {  	_ =	swait.ge [sflag:s16], $0x2800  }
0x42: {  	s18 =	simm.s32 $0xA;
	[sflag:s16] =	ssyncset.done $0x0  }
.LBB2_4:
0x43: {  	p1 =	sne.s32 s18, $0x9BA  }
0x44: {  	[sflag:s16] =	ssyncadd.s32 $0xFFFFD800;
	s19 =	smov.u32 s18;
	s18 =	sadd.s32 $0xA, s18  }
0x45: {  	[spmem:s2] =	stream.indirect.scatter.add.f32 [tilespmem:s15], [sflag:$0x2], $0x80, s13, s14, $0xb8;
	[tilespmem:$0x16580] =	vst v63  }
0x46: {  	_ =	swait.ge [sflag:s12], $0x2800  }
0x47: {  	[sflag:s12] =	ssyncset.done $0x0  }
0x48: {  	s20 =	sadd.s32 s19, s11;
	[sflag:s12] =	ssyncadd.s32 $0xFFFFD800  }
0x49: {  	[tilespmem:s3], [sflag:$0x2] =	stream.linear.gather [hbm4b:s20+s3], $0x50, $0x38;
	[tilespmem:$0x16580] =	vst v63  }
0x4a: {  	_ =	swait.ge [sflag:s12], $0x50  }
0x4b: {  	[sflag:s12] =	ssyncset.done $0x0  }
0x4c: {  	s19 =	sadd.s32 s19, s10;
	[sflag:s12] =	ssyncadd.s32 $0xFFFFFFB0  }
0x4d: {  	[tilespmem:s13], [sflag:$0x2] =	stream.linear.gather [hbm4b:s19+s3], $0x50, $0x38;
	[tilespmem:$0x16580] =	vst v63  }
0x4e: {  	_ =	swait.ge [sflag:s12], $0x50  }
0x4f: {  	[sflag:s12] =	ssyncset.done $0x0  }
0x50: {  	[sflag:s12] =	ssyncadd.s32 $0xFFFFFFB0  }
0x51: {  	v2 =	vld [tilespmem:$0xC0]  }
0x52: {  	v3 =	vld [tilespmem:$0xB0]  }
0x53: {  	v4 =	vld [tilespmem:$0xA0]  }
0x54: {  	v5 =	vld [tilespmem:$0x90]  }
0x55: {  	v6 =	vld [tilespmem:$0x80]  }
0x56: {  	v2 =	vsub.s32 v2, v0  }
0x57: {  	v3 =	vsub.s32 v3, v0;
	v2 =	vmin.u32 v2, $0x1388  }
0x58: {  	v4 =	vsub.s32 v4, v0;
	v3 =	vmin.u32 v3, $0x1388;
	[tilespmem:$0xC0] =	vst v2  }
0x59: {  	v2 =	vsub.s32 v5, v0;
	v4 =	vmin.u32 v4, $0x1388;
	[tilespmem:$0xB0] =	vst v3  }
0x5a: {  	v3 =	vsub.s32 v6, v0;
	v2 =	vmin.u32 v2, $0x1388;
	[tilespmem:$0xA0] =	vst v4  }
.Ltmp1:
0x5b: {  	v3 =	vmin.u32 v3, $0x1388;
	[tilespmem:$0x90] =	vst v2;
	(pc) =	sbr.rel @p1 .LBB2_4-.Ltmp1, $4  }
0x5c: {  	[tilespmem:$0x80] =	vst v3  }
0x5d: {  	[tilespmem:s15], [sflag:$0x1] =	stream.indirect.gather [hbm4b:s4+s14], $0x80, s3, s14, $0xb8;
	[tilespmem:$0x16580] =	vst v63  }
0x5e: {  	_ =	swait.ge [sflag:s16], $0x2800  }
0x5f: {  	[sflag:s16] =	ssyncset.done $0x0  }
0x60: {  	[sflag:s16] =	ssyncadd.s32 $0xFFFFD800  }
0x61: {  	[spmem:s2] =	stream.indirect.scatter.add.f32 [tilespmem:s15], [sflag:$0x2], $0x80, s13, s14, $0xb8;
	[tilespmem:$0x16580] =	vst v63  }
0x62: {  	_ =	swait.ge [sflag:s12], $0x2800  }
0x63: {  	[sflag:s12] =	ssyncset.done $0x0  }
0x64: {  	[sflag:s12] =	ssyncadd.s32 $0xFFFFD800  }
0x65: {  	s18 =	sshrl.u32 @p0 s6, $0x3;
	s19 =	simm.s32 @p0 $0x1FC2;
	[bflag:$0x0] =	sbarrier.arrive $0xFFFF  }
0x66: {  	[hbm:s8], [sflag:s19] =	dma.local @p0 [spmem:s18], $0xC80  }
0x67: {  	s18 =	simm.s32 @p0 $0x2  }
0x68: {  	s17 =	sadd.s32 $0x1, s17;
	_ =	swait.ge @p0 [sflag:s18], $0xC80  }
0x69: {  	p1 =	sne.s32 s17, s9;
	s19 =	sshll.u32 @!p0 s1, $0x6;
	[sflag:s18] =	ssyncset.done @p0 $0x0  }
0x6a: {  	[sflag:s18] =	ssyncadd.s32 @p0 $0xFFFFF380;
	s18 =	sor.u32 @!p0 $0x1C02, s19;
	s19 =	sshrl.u32 @!p0 s5, $0x3  }
0x6b: {  	[hbm:s7], [sflag:s18] =	dma.local @!p0 [spmem:s19], $0x1400  }
.Ltmp2:
0x6c: {  	_ = 	snop;
	(pc) =	sbr.rel @p1 .LBB2_1-.Ltmp2, $4  }
0x6d: {  	s18 =	simm.s32 @!p0 $0x2  }
0x6e: {  	_ =	swait.ge @!p0 [sflag:s18], $0x1400  }
0x6f: {  	[sflag:s18] =	ssyncset.done @!p0 $0x0  }
0x70: {  	[sflag:s18] =	ssyncadd.s32 @!p0 $0xFFFFEC00  }
0x71: {  	_ =	sfence.sel $0x180000  }
0x72: {  	[bflag:$0x0] =	sbarrier.arrive $0xFFFF  }
0x73: {  	p0 =	sne.s32 s1, $0x0;
	_ =	strace $0x90000047  }
0x74: {  	s0 =	sadd.s32 @!p0 $0x100000, s0;
	[bflag:$0x2] =	sbarrier.arrive $0xFFFF  }
0x75: {  	[sflag:s0] =	ssyncadd.tile.s32 @!p0 $0x1;
	_ =	shalt  }
.Lfunc_end2:
_tile_overlayer_lowered:
.L_overlay_start_2:
0x76: {  	(tag) =	ssettag $0x2  }
0x77: {  	s0 =	rddreg [dreg:$0x0];
	s2 =	stileid.u32  }
0x78: {  	s1 =	rddreg [dreg:$0x1];
	p0 =	sne.s32 s2, $0x0  }
0x79: {  	s3 =	rddreg [dreg:$0x2];
	[bflag:$0x3] =	sbarrier.arrive $0xFFFF;
	s2 =	simm.s32 @!p0 $0x1C02  }
0x7a: {  	[timem:s3], [sflag:s2] =	dma.local @!p0 [hbm:s0], s1  }
0x7b: {  	s0 =	simm.s32 @!p0 $0x2  }
0x7c: {  	_ =	swait.ge @!p0 [sflag:s0], s1  }
0x7d: {  	s1 =	ssub.s32 @!p0 $0x0, s1;
	[sflag:s0] =	ssyncset.done @!p0 $0x0  }
0x7e: {  	[sflag:s0] =	ssyncadd.s32 @!p0 s1  }
0x7f: {  	[bflag:$0x3] =	sbarrier.arrive $0xFFFF  }
0x80: {  	_ =	shalt  }

</sc_bundles>
